<compile_context>
chip_gen: v7x
topology: tpu7x:2x2x1
jax: 0.10.2.dev20260603
libtpu: 0.0.44.dev20260713+nightly
codegen_flags: <defaults>
</compile_context>

<pallas_src>
import functools

import jax
import jax.numpy as jnp
from jax import lax
from jax.experimental import pallas as pl
from jax.experimental.pallas import tpu as pltpu
from jax.experimental.pallas import tpu_sc as plsc

N = 6_400_000
D = 4
DW = 8
G = 100_000

NC = 2
NS = 16
NW = NC * NS

GROUP = 125
K = 16
PASS_ROWS = K * GROUP
GROUPS_TOTAL = N // GROUP
GROUPS_PER_TILE = GROUPS_TOTAL // NW
PASSES = GROUPS_PER_TILE // K
ROWS_PER_TILE = N // NW

GP = 100_352
CHUNK = GP // NS
SUB = CHUNK // 4


def _sc_body(xw_hbm, idxg_hbm, z8_hbm, out_s_hbm,
             xbuf0, ibuf0, xbuf1, ibuf1, st8, acc_s,
             ssem, xsem0, isem0, xsem1, isem1):
    cid = lax.axis_index("c")
    sid = lax.axis_index("s")
    wid = sid * NC + cid

    woff = sid * CHUNK
    pltpu.sync_copy(z8_hbm, st8)
    for q in range(4):
        off = woff + q * SUB
        pltpu.sync_copy(st8, acc_s.at[pl.ds(off, SUB), :])
    plsc.subcore_barrier()

    def stage(p, xbuf, ibuf, xsem, isem):
        r0 = wid * ROWS_PER_TILE + p * PASS_ROWS
        g0 = wid * GROUPS_PER_TILE + p * K
        pltpu.async_copy(xw_hbm.at[pl.ds(r0, PASS_ROWS), :], xbuf, xsem)
        pltpu.async_copy(idxg_hbm.at[pl.ds(g0, K), :], ibuf, isem)

    def stage_wait(p, xbuf, ibuf, xsem, isem):
        r0 = wid * ROWS_PER_TILE + p * PASS_ROWS
        g0 = wid * GROUPS_PER_TILE + p * K
        pltpu.make_async_copy(xw_hbm.at[pl.ds(r0, PASS_ROWS), :],
                              xbuf, xsem).wait()
        pltpu.make_async_copy(idxg_hbm.at[pl.ds(g0, K), :],
                              ibuf, isem).wait()

    def scatter(xbuf, ibuf):
        def fire_group(j, c2):
            pltpu.async_copy(xbuf.at[pl.ds(j * GROUP, GROUP), :],
                             acc_s.at[ibuf.at[j]], ssem, add=True)
            return c2

        def drain_group(j, c2):
            pltpu.make_async_copy(xbuf.at[pl.ds(j * GROUP, GROUP), :],
                                  acc_s.at[ibuf.at[j]], ssem).wait()
            return c2

        lax.fori_loop(0, K, fire_group, 0)
        lax.fori_loop(0, K, drain_group, 0)

    stage(0, xbuf0, ibuf0, xsem0, isem0)

    def two_passes(i, carry):
        p0 = 2 * i
        p1 = p0 + 1
        p2 = jnp.minimum(p0 + 2, PASSES - 1)
        stage_wait(p0, xbuf0, ibuf0, xsem0, isem0)
        stage(p1, xbuf1, ibuf1, xsem1, isem1)
        scatter(xbuf0, ibuf0)
        stage_wait(p1, xbuf1, ibuf1, xsem1, isem1)
        stage(p2, xbuf0, ibuf0, xsem0, isem0)
        scatter(xbuf1, ibuf1)
        return carry

    lax.fori_loop(0, PASSES // 2, two_passes, 0)
    stage_wait(PASSES - 1, xbuf0, ibuf0, xsem0, isem0)
    plsc.subcore_barrier()

    for q in range(4):
        off = woff + q * SUB
        pltpu.sync_copy(acc_s.at[pl.ds(off, SUB), :], st8)
        pltpu.sync_copy(st8, out_s_hbm.at[cid, pl.ds(off, SUB), :])


@functools.cache
def _make_sc_segsum():
    return pl.kernel(
        _sc_body,
        out_type=jax.ShapeDtypeStruct((NC, GP, DW), jnp.float32),
        mesh=plsc.VectorSubcoreMesh(core_axis_name="c", subcore_axis_name="s",
                                    num_cores=NC, num_subcores=NS),
        scratch_types=[
            pltpu.VMEM((PASS_ROWS, DW), jnp.float32),
            pltpu.VMEM((K, GROUP), jnp.int32),
            pltpu.VMEM((PASS_ROWS, DW), jnp.float32),
            pltpu.VMEM((K, GROUP), jnp.int32),
            pltpu.VMEM((SUB, DW), jnp.float32),
            pltpu.VMEM_SHARED((GP, DW), jnp.float32),
            pltpu.SemaphoreType.DMA,
            pltpu.SemaphoreType.DMA,
            pltpu.SemaphoreType.DMA,
            pltpu.SemaphoreType.DMA,
            pltpu.SemaphoreType.DMA,
        ],
        compiler_params=pltpu.CompilerParams(use_tc_tiling_on_sc=False),
    )


BG = 6272


def _finalize_body(ps_ref, wet_ref, e4_ref, be_ref, wht_ref, bh_ref, out_ref):
    s8 = ps_ref[0] + ps_ref[1]
    c = jnp.dot(s8, e4_ref[...],
                preferred_element_type=jnp.float32)
    denom = jnp.maximum(c, 1.0)
    gr = (jnp.dot(s8, wet_ref[...], preferred_element_type=jnp.float32)
          + c * be_ref[...]) / denom
    out_ref[...] = (jnp.dot(gr, wht_ref[...], preferred_element_type=jnp.float32)
                    + bh_ref[...])


def _finalize(psums, wet8, e4, be, wht, bh):
    return pl.pallas_call(
        _finalize_body,
        grid=(GP // BG,),
        in_specs=[
            pl.BlockSpec((NC, BG, DW), lambda i: (0, i, 0)),
            pl.BlockSpec((DW, D), lambda i: (0, 0)),
            pl.BlockSpec((DW, 1), lambda i: (0, 0)),
            pl.BlockSpec((1, D), lambda i: (0, 0)),
            pl.BlockSpec((D, 2), lambda i: (0, 0)),
            pl.BlockSpec((1, 2), lambda i: (0, 0)),
        ],
        out_specs=pl.BlockSpec((BG, 2), lambda i: (i, 0)),
        out_shape=jax.ShapeDtypeStruct((GP, 2), jnp.float32),
    )(psums, wet8, e4, be, wht, bh)


def kernel(x, graph_index, W_enc, b_enc, W_head, b_head):
    xw = jnp.concatenate(
        [x, jnp.ones((N, 1), jnp.float32), jnp.zeros((N, 3), jnp.float32)],
        axis=1)
    idxg = graph_index.reshape(GROUPS_TOTAL, GROUP)
    z8 = jnp.zeros((SUB, DW), jnp.float32)
    psums = _make_sc_segsum()(xw, idxg, z8)
    wet8 = jnp.zeros((DW, D), jnp.float32).at[:D].set(W_enc.T)
    e4 = jnp.zeros((DW, 1), jnp.float32).at[D].set(1.0)
    out_full = _finalize(psums, wet8, e4,
                         b_enc.reshape(1, D),
                         W_head.T, b_head.reshape(1, 2))
    return out_full[:G]

# --- scband reference (transcript-rebuilt; emitter-appended) ---
"""Pipeline reference for scband-tiny-graph-classifier-6133213298713 (READ-ONLY COPY).

The authoritative reference and input builder live on the scoring server;
editing this copy changes nothing except your own understanding.
"""

import jax, jax.numpy as jnp
import numpy as np

N = 6_400_000
D = 4
G = 100_000


def setup_inputs(seed: int = 0) -> dict:
    key = jax.random.key(seed)
    k1, k2, k3, k4, k5, k6 = jax.random.split(key, 6)
    x = jax.random.normal(k1, (N, D), dtype=jnp.float32)
    graph_index = jnp.sort(jax.random.randint(k2, (N,), 0, G, dtype=jnp.int32))
    W_enc = jax.random.normal(k3, (4, 4), dtype=jnp.float32) * 0.5
    b_enc = jax.random.normal(k4, (4,), dtype=jnp.float32) * 0.1
    W_head = jax.random.normal(k5, (2, 4), dtype=jnp.float32) * 0.5
    b_head = jax.random.normal(k6, (2,), dtype=jnp.float32) * 0.1
    return {"x": x, "graph_index": graph_index, "W_enc": W_enc, "b_enc": b_enc, "W_head": W_head, "b_head": b_head}


def reference(x, graph_index, W_enc, b_enc, W_head, b_head):
    # encoder: nn.Linear(4, 4)
    node_repr = x @ W_enc.T + b_enc
    # global_mean_pool: segment-sum divided by segment counts
    sums = jax.ops.segment_sum(node_repr, graph_index, num_segments=G)
    counts = jax.ops.segment_sum(jnp.ones((N, 1), dtype=jnp.float32), graph_index, num_segments=G)
    graph_repr = sums / jnp.maximum(counts, 1.0)
    # head: nn.Linear(4, 2)
    out = graph_repr @ W_head.T + b_head
    return out

if __name__ == "__main__":
    import jax
    _d = setup_inputs()
    print(jax.jit(kernel)(*tuple(_d.values())))

</pallas_src>

<mosaic_0001>
#map = affine_map<(d0, d1) -> (0, 0)>
#map1 = affine_map<(d0, d1) -> (0, 0, 0)>
module attributes {stable_mosaic.version = 14 : i64} {
  func.func @_sc_body(%arg0: i32, %arg1: i32, %arg2: memref<6400000x8xf32, #tpu.memory_space<hbm>>, %arg3: memref<51200x125xi32, #tpu.memory_space<hbm>>, %arg4: memref<1568x8xf32, #tpu.memory_space<hbm>>, %arg5: memref<2x100352x8xf32, #tpu.memory_space<hbm>>, %arg6: memref<2000x8xf32, #tpu.memory_space<vmem>>, %arg7: memref<16x125xi32, #tpu.memory_space<vmem>>, %arg8: memref<2000x8xf32, #tpu.memory_space<vmem>>, %arg9: memref<16x125xi32, #tpu.memory_space<vmem>>, %arg10: memref<1568x8xf32, #tpu.memory_space<vmem>>, %arg11: memref<100352x8xf32, #tpu.memory_space<vmem_shared>>, %arg12: memref<!tpu.dma_semaphore, #tpu.memory_space<semaphore_mem>>, %arg13: memref<!tpu.dma_semaphore, #tpu.memory_space<semaphore_mem>>, %arg14: memref<!tpu.dma_semaphore, #tpu.memory_space<semaphore_mem>>, %arg15: memref<!tpu.dma_semaphore, #tpu.memory_space<semaphore_mem>>, %arg16: memref<!tpu.dma_semaphore, #tpu.memory_space<semaphore_mem>>) attributes {dimension_semantics = [#tpu.dimension_semantics<core_parallel>, #tpu.dimension_semantics<subcore_parallel>], iteration_bounds = array<i64: 2, 16>, scalar_prefetch = 0 : i64, scratch_operands = 11 : i64, tpu.core_type = #tpu.core_type<sc_vector_subcore>, window_params = [{transform_indices = #map}, {transform_indices = #map}, {transform_indices = #map}, {transform_indices = #map1}]} {
    %mul3A = arith.constant 2 : i32
    %mul3A_0 = arith.muli %arg1, %mul3A : i32
    %add3A = arith.addi %mul3A_0, %arg0 : i32
    %mul3A_1 = arith.constant 6272 : i32
    %mul3A_2 = arith.muli %arg1, %mul3A_1 : i32
    "tpu.region"() ({
      %run_scoped3A = tpu.sem_alloc : memref<!tpu.dma_semaphore, #tpu.memory_space<semaphore_mem>>
      tpu.enqueue_dma source(%arg4 : memref<1568x8xf32, #tpu.memory_space<hbm>>) target(%arg10 : memref<1568x8xf32, #tpu.memory_space<vmem>>) target_semaphore(%run_scoped3A : memref<!tpu.dma_semaphore, #tpu.memory_space<semaphore_mem>>)
      tpu.wait_dma2 semaphore(%run_scoped3A : memref<!tpu.dma_semaphore, #tpu.memory_space<semaphore_mem>>) src(%arg4 : memref<1568x8xf32, #tpu.memory_space<hbm>>) dst(%arg10 : memref<1568x8xf32, #tpu.memory_space<vmem>>)
      tpu.yield
    }) : () -> ()
    %add3A_3 = arith.constant 0 : i32
    %add3A_4 = arith.addi %mul3A_2, %add3A_3 : i32
    "tpu.region"() ({
      %run_scoped3A = tpu.sem_alloc : memref<!tpu.dma_semaphore, #tpu.memory_space<semaphore_mem>>
      %dma_start3A_55 = arith.constant 0 : i32
      %dma_start3A_56 = tpu.memref_slice %arg11[%add3A_4, %dma_start3A_55] : memref<100352x8xf32, #tpu.memory_space<vmem_shared>> -> memref<1568x8xf32, #tpu.memory_space<vmem_shared>>
      %dma_start3A_57 = arith.constant 0 : i32
      %dma_start3A_58 = tpu.memref_slice %arg11[%add3A_4, %dma_start3A_57] : memref<100352x8xf32, #tpu.memory_space<vmem_shared>> -> memref<1568x8xf32, #tpu.memory_space<vmem_shared>>
      tpu.enqueue_dma source(%arg10 : memref<1568x8xf32, #tpu.memory_space<vmem>>) target(%dma_start3A_58 : memref<1568x8xf32, #tpu.memory_space<vmem_shared>>) target_semaphore(%run_scoped3A : memref<!tpu.dma_semaphore, #tpu.memory_space<semaphore_mem>>)
      %dma_wait3A_59 = arith.constant 0 : i32
      %dma_wait3A_60 = tpu.memref_slice %arg11[%add3A_4, %dma_wait3A_59] : memref<100352x8xf32, #tpu.memory_space<vmem_shared>> -> memref<1568x8xf32, #tpu.memory_space<vmem_shared>>
      %dma_wait3A_61 = arith.constant 0 : i32
      %dma_wait3A_62 = tpu.memref_slice %arg11[%add3A_4, %dma_wait3A_61] : memref<100352x8xf32, #tpu.memory_space<vmem_shared>> -> memref<1568x8xf32, #tpu.memory_space<vmem_shared>>
      tpu.wait_dma2 semaphore(%run_scoped3A : memref<!tpu.dma_semaphore, #tpu.memory_space<semaphore_mem>>) src(%arg10 : memref<1568x8xf32, #tpu.memory_space<vmem>>) dst(%dma_wait3A_62 : memref<1568x8xf32, #tpu.memory_space<vmem_shared>>)
      tpu.yield
    }) : () -> ()
    %add3A_5 = arith.constant 1568 : i32
    %add3A_6 = arith.addi %mul3A_2, %add3A_5 : i32
    "tpu.region"() ({
      %run_scoped3A = tpu.sem_alloc : memref<!tpu.dma_semaphore, #tpu.memory_space<semaphore_mem>>
      %dma_start3A_55 = arith.constant 0 : i32
      %dma_start3A_56 = tpu.memref_slice %arg11[%add3A_6, %dma_start3A_55] : memref<100352x8xf32, #tpu.memory_space<vmem_shared>> -> memref<1568x8xf32, #tpu.memory_space<vmem_shared>>
      %dma_start3A_57 = arith.constant 0 : i32
      %dma_start3A_58 = tpu.memref_slice %arg11[%add3A_6, %dma_start3A_57] : memref<100352x8xf32, #tpu.memory_space<vmem_shared>> -> memref<1568x8xf32, #tpu.memory_space<vmem_shared>>
      tpu.enqueue_dma source(%arg10 : memref<1568x8xf32, #tpu.memory_space<vmem>>) target(%dma_start3A_58 : memref<1568x8xf32, #tpu.memory_space<vmem_shared>>) target_semaphore(%run_scoped3A : memref<!tpu.dma_semaphore, #tpu.memory_space<semaphore_mem>>)
      %dma_wait3A_59 = arith.constant 0 : i32
      %dma_wait3A_60 = tpu.memref_slice %arg11[%add3A_6, %dma_wait3A_59] : memref<100352x8xf32, #tpu.memory_space<vmem_shared>> -> memref<1568x8xf32, #tpu.memory_space<vmem_shared>>
      %dma_wait3A_61 = arith.constant 0 : i32
      %dma_wait3A_62 = tpu.memref_slice %arg11[%add3A_6, %dma_wait3A_61] : memref<100352x8xf32, #tpu.memory_space<vmem_shared>> -> memref<1568x8xf32, #tpu.memory_space<vmem_shared>>
      tpu.wait_dma2 semaphore(%run_scoped3A : memref<!tpu.dma_semaphore, #tpu.memory_space<semaphore_mem>>) src(%arg10 : memref<1568x8xf32, #tpu.memory_space<vmem>>) dst(%dma_wait3A_62 : memref<1568x8xf32, #tpu.memory_space<vmem_shared>>)
      tpu.yield
    }) : () -> ()
    %add3A_7 = arith.constant 3136 : i32
    %add3A_8 = arith.addi %mul3A_2, %add3A_7 : i32
    "tpu.region"() ({
      %run_scoped3A = tpu.sem_alloc : memref<!tpu.dma_semaphore, #tpu.memory_space<semaphore_mem>>
      %dma_start3A_55 = arith.constant 0 : i32
      %dma_start3A_56 = tpu.memref_slice %arg11[%add3A_8, %dma_start3A_55] : memref<100352x8xf32, #tpu.memory_space<vmem_shared>> -> memref<1568x8xf32, #tpu.memory_space<vmem_shared>>
      %dma_start3A_57 = arith.constant 0 : i32
      %dma_start3A_58 = tpu.memref_slice %arg11[%add3A_8, %dma_start3A_57] : memref<100352x8xf32, #tpu.memory_space<vmem_shared>> -> memref<1568x8xf32, #tpu.memory_space<vmem_shared>>
      tpu.enqueue_dma source(%arg10 : memref<1568x8xf32, #tpu.memory_space<vmem>>) target(%dma_start3A_58 : memref<1568x8xf32, #tpu.memory_space<vmem_shared>>) target_semaphore(%run_scoped3A : memref<!tpu.dma_semaphore, #tpu.memory_space<semaphore_mem>>)
      %dma_wait3A_59 = arith.constant 0 : i32
      %dma_wait3A_60 = tpu.memref_slice %arg11[%add3A_8, %dma_wait3A_59] : memref<100352x8xf32, #tpu.memory_space<vmem_shared>> -> memref<1568x8xf32, #tpu.memory_space<vmem_shared>>
      %dma_wait3A_61 = arith.constant 0 : i32
      %dma_wait3A_62 = tpu.memref_slice %arg11[%add3A_8, %dma_wait3A_61] : memref<100352x8xf32, #tpu.memory_space<vmem_shared>> -> memref<1568x8xf32, #tpu.memory_space<vmem_shared>>
      tpu.wait_dma2 semaphore(%run_scoped3A : memref<!tpu.dma_semaphore, #tpu.memory_space<semaphore_mem>>) src(%arg10 : memref<1568x8xf32, #tpu.memory_space<vmem>>) dst(%dma_wait3A_62 : memref<1568x8xf32, #tpu.memory_space<vmem_shared>>)
      tpu.yield
    }) : () -> ()
    %add3A_9 = arith.constant 4704 : i32
    %add3A_10 = arith.addi %mul3A_2, %add3A_9 : i32
    "tpu.region"() ({
      %run_scoped3A = tpu.sem_alloc : memref<!tpu.dma_semaphore, #tpu.memory_space<semaphore_mem>>
      %dma_start3A_55 = arith.constant 0 : i32
      %dma_start3A_56 = tpu.memref_slice %arg11[%add3A_10, %dma_start3A_55] : memref<100352x8xf32, #tpu.memory_space<vmem_shared>> -> memref<1568x8xf32, #tpu.memory_space<vmem_shared>>
      %dma_start3A_57 = arith.constant 0 : i32
      %dma_start3A_58 = tpu.memref_slice %arg11[%add3A_10, %dma_start3A_57] : memref<100352x8xf32, #tpu.memory_space<vmem_shared>> -> memref<1568x8xf32, #tpu.memory_space<vmem_shared>>
      tpu.enqueue_dma source(%arg10 : memref<1568x8xf32, #tpu.memory_space<vmem>>) target(%dma_start3A_58 : memref<1568x8xf32, #tpu.memory_space<vmem_shared>>) target_semaphore(%run_scoped3A : memref<!tpu.dma_semaphore, #tpu.memory_space<semaphore_mem>>)
      %dma_wait3A_59 = arith.constant 0 : i32
      %dma_wait3A_60 = tpu.memref_slice %arg11[%add3A_10, %dma_wait3A_59] : memref<100352x8xf32, #tpu.memory_space<vmem_shared>> -> memref<1568x8xf32, #tpu.memory_space<vmem_shared>>
      %dma_wait3A_61 = arith.constant 0 : i32
      %dma_wait3A_62 = tpu.memref_slice %arg11[%add3A_10, %dma_wait3A_61] : memref<100352x8xf32, #tpu.memory_space<vmem_shared>> -> memref<1568x8xf32, #tpu.memory_space<vmem_shared>>
      tpu.wait_dma2 semaphore(%run_scoped3A : memref<!tpu.dma_semaphore, #tpu.memory_space<semaphore_mem>>) src(%arg10 : memref<1568x8xf32, #tpu.memory_space<vmem>>) dst(%dma_wait3A_62 : memref<1568x8xf32, #tpu.memory_space<vmem_shared>>)
      tpu.yield
    }) : () -> ()
    %barrier3A = arith.constant 0 : index
    tpu.barrier barrier_id(%barrier3A)
    %mul3A_11 = arith.constant 200000 : i32
    %mul3A_12 = arith.muli %add3A, %mul3A_11 : i32
    %add3A_13 = arith.constant 0 : i32
    %add3A_14 = arith.addi %mul3A_12, %add3A_13 : i32
    %mul3A_15 = arith.constant 1600 : i32
    %mul3A_16 = arith.muli %add3A, %mul3A_15 : i32
    %add3A_17 = arith.constant 0 : i32
    %add3A_18 = arith.addi %mul3A_16, %add3A_17 : i32
    %dma_start3A = arith.constant 0 : i32
    %dma_start3A_19 = tpu.memref_slice %arg2[%add3A_14, %dma_start3A] : memref<6400000x8xf32, #tpu.memory_space<hbm>> -> memref<2000x8xf32, #tpu.memory_space<hbm>>
    %dma_start3A_20 = arith.constant 0 : i32
    %dma_start3A_21 = tpu.memref_slice %arg2[%add3A_14, %dma_start3A_20] : memref<6400000x8xf32, #tpu.memory_space<hbm>> -> memref<2000x8xf32, #tpu.memory_space<hbm>>
    tpu.enqueue_dma source(%dma_start3A_21 : memref<2000x8xf32, #tpu.memory_space<hbm>>) target(%arg6 : memref<2000x8xf32, #tpu.memory_space<vmem>>) target_semaphore(%arg13 : memref<!tpu.dma_semaphore, #tpu.memory_space<semaphore_mem>>)
    %dma_start3A_22 = arith.constant 0 : i32
    %dma_start3A_23 = tpu.memref_slice %arg3[%add3A_18, %dma_start3A_22] : memref<51200x125xi32, #tpu.memory_space<hbm>> -> memref<16x125xi32, #tpu.memory_space<hbm>>
    %dma_start3A_24 = arith.constant 0 : i32
    %dma_start3A_25 = tpu.memref_slice %arg3[%add3A_18, %dma_start3A_24] : memref<51200x125xi32, #tpu.memory_space<hbm>> -> memref<16x125xi32, #tpu.memory_space<hbm>>
    tpu.enqueue_dma source(%dma_start3A_25 : memref<16x125xi32, #tpu.memory_space<hbm>>) target(%arg7 : memref<16x125xi32, #tpu.memory_space<vmem>>) target_semaphore(%arg14 : memref<!tpu.dma_semaphore, #tpu.memory_space<semaphore_mem>>)
    %scan3A = arith.constant 0 : i32
    %scan3A_26 = arith.constant 0 : i32
    %scan3A_27 = arith.constant 50 : i32
    %scan3A_28 = arith.addi %scan3A_26, %scan3A_27 : i32
    %scan3A_29 = arith.constant 1 : i32
    scf.for %scan3A_55 = %scan3A_26 to %scan3A_28 step %scan3A_29  : i32 {
      %mul3A_56 = arith.constant 2 : i32
      %mul3A_57 = arith.muli %mul3A_56, %scan3A_55 : i32
      %add3A_58 = arith.constant 1 : i32
      %add3A_59 = arith.addi %mul3A_57, %add3A_58 : i32
      %add3A_60 = arith.constant 2 : i32
      %add3A_61 = arith.addi %mul3A_57, %add3A_60 : i32
      %min3A = arith.constant 99 : i32
      %min3A_62 = arith.minsi %add3A_61, %min3A : i32
      %mul3A_63 = arith.constant 200000 : i32
      %mul3A_64 = arith.muli %add3A, %mul3A_63 : i32
      %mul3A_65 = arith.constant 2000 : i32
      %mul3A_66 = arith.muli %mul3A_57, %mul3A_65 : i32
      %add3A_67 = arith.addi %mul3A_64, %mul3A_66 : i32
      %mul3A_68 = arith.constant 1600 : i32
      %mul3A_69 = arith.muli %add3A, %mul3A_68 : i32
      %mul3A_70 = arith.constant 16 : i32
      %mul3A_71 = arith.muli %mul3A_57, %mul3A_70 : i32
      %add3A_72 = arith.addi %mul3A_69, %mul3A_71 : i32
      %dma_wait3A_73 = arith.constant 0 : i32
      %dma_wait3A_74 = tpu.memref_slice %arg2[%add3A_67, %dma_wait3A_73] : memref<6400000x8xf32, #tpu.memory_space<hbm>> -> memref<2000x8xf32, #tpu.memory_space<hbm>>
      %dma_wait3A_75 = arith.constant 0 : i32
      %dma_wait3A_76 = tpu.memref_slice %arg2[%add3A_67, %dma_wait3A_75] : memref<6400000x8xf32, #tpu.memory_space<hbm>> -> memref<2000x8xf32, #tpu.memory_space<hbm>>
      tpu.wait_dma2 semaphore(%arg13 : memref<!tpu.dma_semaphore, #tpu.memory_space<semaphore_mem>>) src(%dma_wait3A_76 : memref<2000x8xf32, #tpu.memory_space<hbm>>) dst(%arg6 : memref<2000x8xf32, #tpu.memory_space<vmem>>)
      %dma_wait3A_77 = arith.constant 0 : i32
      %dma_wait3A_78 = tpu.memref_slice %arg3[%add3A_72, %dma_wait3A_77] : memref<51200x125xi32, #tpu.memory_space<hbm>> -> memref<16x125xi32, #tpu.memory_space<hbm>>
      %dma_wait3A_79 = arith.constant 0 : i32
      %dma_wait3A_80 = tpu.memref_slice %arg3[%add3A_72, %dma_wait3A_79] : memref<51200x125xi32, #tpu.memory_space<hbm>> -> memref<16x125xi32, #tpu.memory_space<hbm>>
      tpu.wait_dma2 semaphore(%arg14 : memref<!tpu.dma_semaphore, #tpu.memory_space<semaphore_mem>>) src(%dma_wait3A_80 : memref<16x125xi32, #tpu.memory_space<hbm>>) dst(%arg7 : memref<16x125xi32, #tpu.memory_space<vmem>>)
      %mul3A_81 = arith.constant 200000 : i32
      %mul3A_82 = arith.muli %add3A, %mul3A_81 : i32
      %mul3A_83 = arith.constant 2000 : i32
      %mul3A_84 = arith.muli %add3A_59, %mul3A_83 : i32
      %add3A_85 = arith.addi %mul3A_82, %mul3A_84 : i32
      %mul3A_86 = arith.constant 1600 : i32
      %mul3A_87 = arith.muli %add3A, %mul3A_86 : i32
      %mul3A_88 = arith.constant 16 : i32
      %mul3A_89 = arith.muli %add3A_59, %mul3A_88 : i32
      %add3A_90 = arith.addi %mul3A_87, %mul3A_89 : i32
      %dma_start3A_91 = arith.constant 0 : i32
      %dma_start3A_92 = tpu.memref_slice %arg2[%add3A_85, %dma_start3A_91] : memref<6400000x8xf32, #tpu.memory_space<hbm>> -> memref<2000x8xf32, #tpu.memory_space<hbm>>
      %dma_start3A_93 = arith.constant 0 : i32
      %dma_start3A_94 = tpu.memref_slice %arg2[%add3A_85, %dma_start3A_93] : memref<6400000x8xf32, #tpu.memory_space<hbm>> -> memref<2000x8xf32, #tpu.memory_space<hbm>>
      tpu.enqueue_dma source(%dma_start3A_94 : memref<2000x8xf32, #tpu.memory_space<hbm>>) target(%arg8 : memref<2000x8xf32, #tpu.memory_space<vmem>>) target_semaphore(%arg15 : memref<!tpu.dma_semaphore, #tpu.memory_space<semaphore_mem>>)
      %dma_start3A_95 = arith.constant 0 : i32
      %dma_start3A_96 = tpu.memref_slice %arg3[%add3A_90, %dma_start3A_95] : memref<51200x125xi32, #tpu.memory_space<hbm>> -> memref<16x125xi32, #tpu.memory_space<hbm>>
      %dma_start3A_97 = arith.constant 0 : i32
      %dma_start3A_98 = tpu.memref_slice %arg3[%add3A_90, %dma_start3A_97] : memref<51200x125xi32, #tpu.memory_space<hbm>> -> memref<16x125xi32, #tpu.memory_space<hbm>>
      tpu.enqueue_dma source(%dma_start3A_98 : memref<16x125xi32, #tpu.memory_space<hbm>>) target(%arg9 : memref<16x125xi32, #tpu.memory_space<vmem>>) target_semaphore(%arg16 : memref<!tpu.dma_semaphore, #tpu.memory_space<semaphore_mem>>)
      %scan3A_99 = arith.constant 0 : i32
      %scan3A_100 = arith.constant 0 : i32
      %scan3A_101 = arith.constant 16 : i32
      %scan3A_102 = arith.addi %scan3A_100, %scan3A_101 : i32
      %scan3A_103 = arith.constant 1 : i32
      scf.for %scan3A_159 = %scan3A_100 to %scan3A_102 step %scan3A_103  : i32 {
        %mul3A_160 = arith.constant 125 : i32
        %mul3A_161 = arith.muli %scan3A_159, %mul3A_160 : i32
        %dma_start3A_162 = arith.constant 0 : i32
        %dma_start3A_163 = tpu.memref_slice %arg6[%mul3A_161, %dma_start3A_162] : memref<2000x8xf32, #tpu.memory_space<vmem>> -> memref<125x8xf32, #tpu.memory_space<vmem>>
        %dma_start3A_164 = arith.constant 0 : i32
        %dma_start3A_165 = tpu.memref_slice %arg7[%scan3A_159, %dma_start3A_164] : memref<16x125xi32, #tpu.memory_space<vmem>> -> memref<1x125xi32, #tpu.memory_space<vmem>>
        %dma_start3A_166 = tpu.memref_squeeze %dma_start3A_165 : memref<1x125xi32, #tpu.memory_space<vmem>> -> memref<125xi32, #tpu.memory_space<vmem>>
        %dma_start3A_167 = arith.constant 0 : i32
        %dma_start3A_168 = arith.constant 0 : i32
        %dma_start3A_169 = tpu.memref_slice %arg11[%dma_start3A_167, %dma_start3A_168] : memref<100352x8xf32, #tpu.memory_space<vmem_shared>> -> memref<100352x8xf32, #tpu.memory_space<vmem_shared>>
        tpu.enqueue_indirect_dma source(%dma_start3A_163 : memref<125x8xf32, #tpu.memory_space<vmem>>) target(%dma_start3A_169 : memref<100352x8xf32, #tpu.memory_space<vmem_shared>>) offsets(%dma_start3A_166 : memref<125xi32, #tpu.memory_space<vmem>>) semaphore(%arg12 : memref<!tpu.dma_semaphore, #tpu.memory_space<semaphore_mem>>) {add = true}
      }
      %scan3A_104 = arith.constant 16 : i32
      %scan3A_105 = arith.constant 0 : i32
      %scan3A_106 = arith.constant 0 : i32
      %scan3A_107 = arith.constant 16 : i32
      %scan3A_108 = arith.addi %scan3A_106, %scan3A_107 : i32
      %scan3A_109 = arith.constant 1 : i32
      scf.for %scan3A_159 = %scan3A_106 to %scan3A_108 step %scan3A_109  : i32 {
        %mul3A_160 = arith.constant 125 : i32
        %mul3A_161 = arith.muli %scan3A_159, %mul3A_160 : i32
        %dma_wait3A_162 = arith.constant 0 : i32
        %dma_wait3A_163 = tpu.memref_slice %arg6[%mul3A_161, %dma_wait3A_162] : memref<2000x8xf32, #tpu.memory_space<vmem>> -> memref<125x8xf32, #tpu.memory_space<vmem>>
        %dma_wait3A_164 = arith.constant 0 : i32
        %dma_wait3A_165 = tpu.memref_slice %arg7[%scan3A_159, %dma_wait3A_164] : memref<16x125xi32, #tpu.memory_space<vmem>> -> memref<1x125xi32, #tpu.memory_space<vmem>>
        %dma_wait3A_166 = tpu.memref_squeeze %dma_wait3A_165 : memref<1x125xi32, #tpu.memory_space<vmem>> -> memref<125xi32, #tpu.memory_space<vmem>>
        %dma_wait3A_167 = arith.constant 0 : i32
        %dma_wait3A_168 = arith.constant 0 : i32
        %dma_wait3A_169 = tpu.memref_slice %arg11[%dma_wait3A_167, %dma_wait3A_168] : memref<100352x8xf32, #tpu.memory_space<vmem_shared>> -> memref<100352x8xf32, #tpu.memory_space<vmem_shared>>
        tpu.wait_indirect_dma semaphore(%arg12 : memref<!tpu.dma_semaphore, #tpu.memory_space<semaphore_mem>>) src(%dma_wait3A_163 : memref<125x8xf32, #tpu.memory_space<vmem>>) dst(%dma_wait3A_169 : memref<100352x8xf32, #tpu.memory_space<vmem_shared>>)
      }
      %scan3A_110 = arith.constant 16 : i32
      %mul3A_111 = arith.constant 200000 : i32
      %mul3A_112 = arith.muli %add3A, %mul3A_111 : i32
      %mul3A_113 = arith.constant 2000 : i32
      %mul3A_114 = arith.muli %add3A_59, %mul3A_113 : i32
      %add3A_115 = arith.addi %mul3A_112, %mul3A_114 : i32
      %mul3A_116 = arith.constant 1600 : i32
      %mul3A_117 = arith.muli %add3A, %mul3A_116 : i32
      %mul3A_118 = arith.constant 16 : i32
      %mul3A_119 = arith.muli %add3A_59, %mul3A_118 : i32
      %add3A_120 = arith.addi %mul3A_117, %mul3A_119 : i32
      %dma_wait3A_121 = arith.constant 0 : i32
      %dma_wait3A_122 = tpu.memref_slice %arg2[%add3A_115, %dma_wait3A_121] : memref<6400000x8xf32, #tpu.memory_space<hbm>> -> memref<2000x8xf32, #tpu.memory_space<hbm>>
      %dma_wait3A_123 = arith.constant 0 : i32
      %dma_wait3A_124 = tpu.memref_slice %arg2[%add3A_115, %dma_wait3A_123] : memref<6400000x8xf32, #tpu.memory_space<hbm>> -> memref<2000x8xf32, #tpu.memory_space<hbm>>
      tpu.wait_dma2 semaphore(%arg15 : memref<!tpu.dma_semaphore, #tpu.memory_space<semaphore_mem>>) src(%dma_wait3A_124 : memref<2000x8xf32, #tpu.memory_space<hbm>>) dst(%arg8 : memref<2000x8xf32, #tpu.memory_space<vmem>>)
      %dma_wait3A_125 = arith.constant 0 : i32
      %dma_wait3A_126 = tpu.memref_slice %arg3[%add3A_120, %dma_wait3A_125] : memref<51200x125xi32, #tpu.memory_space<hbm>> -> memref<16x125xi32, #tpu.memory_space<hbm>>
      %dma_wait3A_127 = arith.constant 0 : i32
      %dma_wait3A_128 = tpu.memref_slice %arg3[%add3A_120, %dma_wait3A_127] : memref<51200x125xi32, #tpu.memory_space<hbm>> -> memref<16x125xi32, #tpu.memory_space<hbm>>
      tpu.wait_dma2 semaphore(%arg16 : memref<!tpu.dma_semaphore, #tpu.memory_space<semaphore_mem>>) src(%dma_wait3A_128 : memref<16x125xi32, #tpu.memory_space<hbm>>) dst(%arg9 : memref<16x125xi32, #tpu.memory_space<vmem>>)
      %mul3A_129 = arith.constant 200000 : i32
      %mul3A_130 = arith.muli %add3A, %mul3A_129 : i32
      %mul3A_131 = arith.constant 2000 : i32
      %mul3A_132 = arith.muli %min3A_62, %mul3A_131 : i32
      %add3A_133 = arith.addi %mul3A_130, %mul3A_132 : i32
      %mul3A_134 = arith.constant 1600 : i32
      %mul3A_135 = arith.muli %add3A, %mul3A_134 : i32
      %mul3A_136 = arith.constant 16 : i32
      %mul3A_137 = arith.muli %min3A_62, %mul3A_136 : i32
      %add3A_138 = arith.addi %mul3A_135, %mul3A_137 : i32
      %dma_start3A_139 = arith.constant 0 : i32
      %dma_start3A_140 = tpu.memref_slice %arg2[%add3A_133, %dma_start3A_139] : memref<6400000x8xf32, #tpu.memory_space<hbm>> -> memref<2000x8xf32, #tpu.memory_space<hbm>>
      %dma_start3A_141 = arith.constant 0 : i32
      %dma_start3A_142 = tpu.memref_slice %arg2[%add3A_133, %dma_start3A_141] : memref<6400000x8xf32, #tpu.memory_space<hbm>> -> memref<2000x8xf32, #tpu.memory_space<hbm>>
      tpu.enqueue_dma source(%dma_start3A_142 : memref<2000x8xf32, #tpu.memory_space<hbm>>) target(%arg6 : memref<2000x8xf32, #tpu.memory_space<vmem>>) target_semaphore(%arg13 : memref<!tpu.dma_semaphore, #tpu.memory_space<semaphore_mem>>)
      %dma_start3A_143 = arith.constant 0 : i32
      %dma_start3A_144 = tpu.memref_slice %arg3[%add3A_138, %dma_start3A_143] : memref<51200x125xi32, #tpu.memory_space<hbm>> -> memref<16x125xi32, #tpu.memory_space<hbm>>
      %dma_start3A_145 = arith.constant 0 : i32
      %dma_start3A_146 = tpu.memref_slice %arg3[%add3A_138, %dma_start3A_145] : memref<51200x125xi32, #tpu.memory_space<hbm>> -> memref<16x125xi32, #tpu.memory_space<hbm>>
      tpu.enqueue_dma source(%dma_start3A_146 : memref<16x125xi32, #tpu.memory_space<hbm>>) target(%arg7 : memref<16x125xi32, #tpu.memory_space<vmem>>) target_semaphore(%arg14 : memref<!tpu.dma_semaphore, #tpu.memory_space<semaphore_mem>>)
      %scan3A_147 = arith.constant 0 : i32
      %scan3A_148 = arith.constant 0 : i32
      %scan3A_149 = arith.constant 16 : i32
      %scan3A_150 = arith.addi %scan3A_148, %scan3A_149 : i32
      %scan3A_151 = arith.constant 1 : i32
      scf.for %scan3A_159 = %scan3A_148 to %scan3A_150 step %scan3A_151  : i32 {
        %mul3A_160 = arith.constant 125 : i32
        %mul3A_161 = arith.muli %scan3A_159, %mul3A_160 : i32
        %dma_start3A_162 = arith.constant 0 : i32
        %dma_start3A_163 = tpu.memref_slice %arg8[%mul3A_161, %dma_start3A_162] : memref<2000x8xf32, #tpu.memory_space<vmem>> -> memref<125x8xf32, #tpu.memory_space<vmem>>
        %dma_start3A_164 = arith.constant 0 : i32
        %dma_start3A_165 = tpu.memref_slice %arg9[%scan3A_159, %dma_start3A_164] : memref<16x125xi32, #tpu.memory_space<vmem>> -> memref<1x125xi32, #tpu.memory_space<vmem>>
        %dma_start3A_166 = tpu.memref_squeeze %dma_start3A_165 : memref<1x125xi32, #tpu.memory_space<vmem>> -> memref<125xi32, #tpu.memory_space<vmem>>
        %dma_start3A_167 = arith.constant 0 : i32
        %dma_start3A_168 = arith.constant 0 : i32
        %dma_start3A_169 = tpu.memref_slice %arg11[%dma_start3A_167, %dma_start3A_168] : memref<100352x8xf32, #tpu.memory_space<vmem_shared>> -> memref<100352x8xf32, #tpu.memory_space<vmem_shared>>
        tpu.enqueue_indirect_dma source(%dma_start3A_163 : memref<125x8xf32, #tpu.memory_space<vmem>>) target(%dma_start3A_169 : memref<100352x8xf32, #tpu.memory_space<vmem_shared>>) offsets(%dma_start3A_166 : memref<125xi32, #tpu.memory_space<vmem>>) semaphore(%arg12 : memref<!tpu.dma_semaphore, #tpu.memory_space<semaphore_mem>>) {add = true}
      }
      %scan3A_152 = arith.constant 16 : i32
      %scan3A_153 = arith.constant 0 : i32
      %scan3A_154 = arith.constant 0 : i32
      %scan3A_155 = arith.constant 16 : i32
      %scan3A_156 = arith.addi %scan3A_154, %scan3A_155 : i32
      %scan3A_157 = arith.constant 1 : i32
      scf.for %scan3A_159 = %scan3A_154 to %scan3A_156 step %scan3A_157  : i32 {
        %mul3A_160 = arith.constant 125 : i32
        %mul3A_161 = arith.muli %scan3A_159, %mul3A_160 : i32
        %dma_wait3A_162 = arith.constant 0 : i32
        %dma_wait3A_163 = tpu.memref_slice %arg8[%mul3A_161, %dma_wait3A_162] : memref<2000x8xf32, #tpu.memory_space<vmem>> -> memref<125x8xf32, #tpu.memory_space<vmem>>
        %dma_wait3A_164 = arith.constant 0 : i32
        %dma_wait3A_165 = tpu.memref_slice %arg9[%scan3A_159, %dma_wait3A_164] : memref<16x125xi32, #tpu.memory_space<vmem>> -> memref<1x125xi32, #tpu.memory_space<vmem>>
        %dma_wait3A_166 = tpu.memref_squeeze %dma_wait3A_165 : memref<1x125xi32, #tpu.memory_space<vmem>> -> memref<125xi32, #tpu.memory_space<vmem>>
        %dma_wait3A_167 = arith.constant 0 : i32
        %dma_wait3A_168 = arith.constant 0 : i32
        %dma_wait3A_169 = tpu.memref_slice %arg11[%dma_wait3A_167, %dma_wait3A_168] : memref<100352x8xf32, #tpu.memory_space<vmem_shared>> -> memref<100352x8xf32, #tpu.memory_space<vmem_shared>>
        tpu.wait_indirect_dma semaphore(%arg12 : memref<!tpu.dma_semaphore, #tpu.memory_space<semaphore_mem>>) src(%dma_wait3A_163 : memref<125x8xf32, #tpu.memory_space<vmem>>) dst(%dma_wait3A_169 : memref<100352x8xf32, #tpu.memory_space<vmem_shared>>)
      }
      %scan3A_158 = arith.constant 16 : i32
    }
    %scan3A_30 = arith.constant 50 : i32
    %mul3A_31 = arith.constant 200000 : i32
    %mul3A_32 = arith.muli %add3A, %mul3A_31 : i32
    %add3A_33 = arith.constant 198000 : i32
    %add3A_34 = arith.addi %mul3A_32, %add3A_33 : i32
    %mul3A_35 = arith.constant 1600 : i32
    %mul3A_36 = arith.muli %add3A, %mul3A_35 : i32
    %add3A_37 = arith.constant 1584 : i32
    %add3A_38 = arith.addi %mul3A_36, %add3A_37 : i32
    %dma_wait3A = arith.constant 0 : i32
    %dma_wait3A_39 = tpu.memref_slice %arg2[%add3A_34, %dma_wait3A] : memref<6400000x8xf32, #tpu.memory_space<hbm>> -> memref<2000x8xf32, #tpu.memory_space<hbm>>
    %dma_wait3A_40 = arith.constant 0 : i32
    %dma_wait3A_41 = tpu.memref_slice %arg2[%add3A_34, %dma_wait3A_40] : memref<6400000x8xf32, #tpu.memory_space<hbm>> -> memref<2000x8xf32, #tpu.memory_space<hbm>>
    tpu.wait_dma2 semaphore(%arg13 : memref<!tpu.dma_semaphore, #tpu.memory_space<semaphore_mem>>) src(%dma_wait3A_41 : memref<2000x8xf32, #tpu.memory_space<hbm>>) dst(%arg6 : memref<2000x8xf32, #tpu.memory_space<vmem>>)
    %dma_wait3A_42 = arith.constant 0 : i32
    %dma_wait3A_43 = tpu.memref_slice %arg3[%add3A_38, %dma_wait3A_42] : memref<51200x125xi32, #tpu.memory_space<hbm>> -> memref<16x125xi32, #tpu.memory_space<hbm>>
    %dma_wait3A_44 = arith.constant 0 : i32
    %dma_wait3A_45 = tpu.memref_slice %arg3[%add3A_38, %dma_wait3A_44] : memref<51200x125xi32, #tpu.memory_space<hbm>> -> memref<16x125xi32, #tpu.memory_space<hbm>>
    tpu.wait_dma2 semaphore(%arg14 : memref<!tpu.dma_semaphore, #tpu.memory_space<semaphore_mem>>) src(%dma_wait3A_45 : memref<16x125xi32, #tpu.memory_space<hbm>>) dst(%arg7 : memref<16x125xi32, #tpu.memory_space<vmem>>)
    %barrier3A_46 = arith.constant 0 : index
    tpu.barrier barrier_id(%barrier3A_46)
    %add3A_47 = arith.constant 0 : i32
    %add3A_48 = arith.addi %mul3A_2, %add3A_47 : i32
    "tpu.region"() ({
      %run_scoped3A = tpu.sem_alloc : memref<!tpu.dma_semaphore, #tpu.memory_space<semaphore_mem>>
      %dma_start3A_55 = arith.constant 0 : i32
      %dma_start3A_56 = tpu.memref_slice %arg11[%add3A_48, %dma_start3A_55] : memref<100352x8xf32, #tpu.memory_space<vmem_shared>> -> memref<1568x8xf32, #tpu.memory_space<vmem_shared>>
      %dma_start3A_57 = arith.constant 0 : i32
      %dma_start3A_58 = tpu.memref_slice %arg11[%add3A_48, %dma_start3A_57] : memref<100352x8xf32, #tpu.memory_space<vmem_shared>> -> memref<1568x8xf32, #tpu.memory_space<vmem_shared>>
      tpu.enqueue_dma source(%dma_start3A_58 : memref<1568x8xf32, #tpu.memory_space<vmem_shared>>) target(%arg10 : memref<1568x8xf32, #tpu.memory_space<vmem>>) target_semaphore(%run_scoped3A : memref<!tpu.dma_semaphore, #tpu.memory_space<semaphore_mem>>)
      %dma_wait3A_59 = arith.constant 0 : i32
      %dma_wait3A_60 = tpu.memref_slice %arg11[%add3A_48, %dma_wait3A_59] : memref<100352x8xf32, #tpu.memory_space<vmem_shared>> -> memref<1568x8xf32, #tpu.memory_space<vmem_shared>>
      %dma_wait3A_61 = arith.constant 0 : i32
      %dma_wait3A_62 = tpu.memref_slice %arg11[%add3A_48, %dma_wait3A_61] : memref<100352x8xf32, #tpu.memory_space<vmem_shared>> -> memref<1568x8xf32, #tpu.memory_space<vmem_shared>>
      tpu.wait_dma2 semaphore(%run_scoped3A : memref<!tpu.dma_semaphore, #tpu.memory_space<semaphore_mem>>) src(%dma_wait3A_62 : memref<1568x8xf32, #tpu.memory_space<vmem_shared>>) dst(%arg10 : memref<1568x8xf32, #tpu.memory_space<vmem>>)
      tpu.yield
    }) : () -> ()
    "tpu.region"() ({
      %run_scoped3A = tpu.sem_alloc : memref<!tpu.dma_semaphore, #tpu.memory_space<semaphore_mem>>
      %dma_start3A_55 = arith.constant 0 : i32
      %dma_start3A_56 = tpu.memref_slice %arg5[%arg0, %add3A_48, %dma_start3A_55] : memref<2x100352x8xf32, #tpu.memory_space<hbm>> -> memref<1x1568x8xf32, #tpu.memory_space<hbm>>
      %dma_start3A_57 = tpu.memref_squeeze %dma_start3A_56 : memref<1x1568x8xf32, #tpu.memory_space<hbm>> -> memref<1568x8xf32, #tpu.memory_space<hbm>>
      %dma_start3A_58 = arith.constant 0 : i32
      %dma_start3A_59 = tpu.memref_slice %arg5[%arg0, %add3A_48, %dma_start3A_58] : memref<2x100352x8xf32, #tpu.memory_space<hbm>> -> memref<1x1568x8xf32, #tpu.memory_space<hbm>>
      %dma_start3A_60 = tpu.memref_squeeze %dma_start3A_59 : memref<1x1568x8xf32, #tpu.memory_space<hbm>> -> memref<1568x8xf32, #tpu.memory_space<hbm>>
      tpu.enqueue_dma source(%arg10 : memref<1568x8xf32, #tpu.memory_space<vmem>>) target(%dma_start3A_60 : memref<1568x8xf32, #tpu.memory_space<hbm>>) target_semaphore(%run_scoped3A : memref<!tpu.dma_semaphore, #tpu.memory_space<semaphore_mem>>)
      %dma_wait3A_61 = arith.constant 0 : i32
      %dma_wait3A_62 = tpu.memref_slice %arg5[%arg0, %add3A_48, %dma_wait3A_61] : memref<2x100352x8xf32, #tpu.memory_space<hbm>> -> memref<1x1568x8xf32, #tpu.memory_space<hbm>>
      %dma_wait3A_63 = tpu.memref_squeeze %dma_wait3A_62 : memref<1x1568x8xf32, #tpu.memory_space<hbm>> -> memref<1568x8xf32, #tpu.memory_space<hbm>>
      %dma_wait3A_64 = arith.constant 0 : i32
      %dma_wait3A_65 = tpu.memref_slice %arg5[%arg0, %add3A_48, %dma_wait3A_64] : memref<2x100352x8xf32, #tpu.memory_space<hbm>> -> memref<1x1568x8xf32, #tpu.memory_space<hbm>>
      %dma_wait3A_66 = tpu.memref_squeeze %dma_wait3A_65 : memref<1x1568x8xf32, #tpu.memory_space<hbm>> -> memref<1568x8xf32, #tpu.memory_space<hbm>>
      tpu.wait_dma2 semaphore(%run_scoped3A : memref<!tpu.dma_semaphore, #tpu.memory_space<semaphore_mem>>) src(%arg10 : memref<1568x8xf32, #tpu.memory_space<vmem>>) dst(%dma_wait3A_66 : memref<1568x8xf32, #tpu.memory_space<hbm>>)
      tpu.yield
    }) : () -> ()
    %add3A_49 = arith.constant 1568 : i32
    %add3A_50 = arith.addi %mul3A_2, %add3A_49 : i32
    "tpu.region"() ({
      %run_scoped3A = tpu.sem_alloc : memref<!tpu.dma_semaphore, #tpu.memory_space<semaphore_mem>>
      %dma_start3A_55 = arith.constant 0 : i32
      %dma_start3A_56 = tpu.memref_slice %arg11[%add3A_50, %dma_start3A_55] : memref<100352x8xf32, #tpu.memory_space<vmem_shared>> -> memref<1568x8xf32, #tpu.memory_space<vmem_shared>>
      %dma_start3A_57 = arith.constant 0 : i32
      %dma_start3A_58 = tpu.memref_slice %arg11[%add3A_50, %dma_start3A_57] : memref<100352x8xf32, #tpu.memory_space<vmem_shared>> -> memref<1568x8xf32, #tpu.memory_space<vmem_shared>>
      tpu.enqueue_dma source(%dma_start3A_58 : memref<1568x8xf32, #tpu.memory_space<vmem_shared>>) target(%arg10 : memref<1568x8xf32, #tpu.memory_space<vmem>>) target_semaphore(%run_scoped3A : memref<!tpu.dma_semaphore, #tpu.memory_space<semaphore_mem>>)
      %dma_wait3A_59 = arith.constant 0 : i32
      %dma_wait3A_60 = tpu.memref_slice %arg11[%add3A_50, %dma_wait3A_59] : memref<100352x8xf32, #tpu.memory_space<vmem_shared>> -> memref<1568x8xf32, #tpu.memory_space<vmem_shared>>
      %dma_wait3A_61 = arith.constant 0 : i32
      %dma_wait3A_62 = tpu.memref_slice %arg11[%add3A_50, %dma_wait3A_61] : memref<100352x8xf32, #tpu.memory_space<vmem_shared>> -> memref<1568x8xf32, #tpu.memory_space<vmem_shared>>
      tpu.wait_dma2 semaphore(%run_scoped3A : memref<!tpu.dma_semaphore, #tpu.memory_space<semaphore_mem>>) src(%dma_wait3A_62 : memref<1568x8xf32, #tpu.memory_space<vmem_shared>>) dst(%arg10 : memref<1568x8xf32, #tpu.memory_space<vmem>>)
      tpu.yield
    }) : () -> ()
    "tpu.region"() ({
      %run_scoped3A = tpu.sem_alloc : memref<!tpu.dma_semaphore, #tpu.memory_space<semaphore_mem>>
      %dma_start3A_55 = arith.constant 0 : i32
      %dma_start3A_56 = tpu.memref_slice %arg5[%arg0, %add3A_50, %dma_start3A_55] : memref<2x100352x8xf32, #tpu.memory_space<hbm>> -> memref<1x1568x8xf32, #tpu.memory_space<hbm>>
      %dma_start3A_57 = tpu.memref_squeeze %dma_start3A_56 : memref<1x1568x8xf32, #tpu.memory_space<hbm>> -> memref<1568x8xf32, #tpu.memory_space<hbm>>
      %dma_start3A_58 = arith.constant 0 : i32
      %dma_start3A_59 = tpu.memref_slice %arg5[%arg0, %add3A_50, %dma_start3A_58] : memref<2x100352x8xf32, #tpu.memory_space<hbm>> -> memref<1x1568x8xf32, #tpu.memory_space<hbm>>
      %dma_start3A_60 = tpu.memref_squeeze %dma_start3A_59 : memref<1x1568x8xf32, #tpu.memory_space<hbm>> -> memref<1568x8xf32, #tpu.memory_space<hbm>>
      tpu.enqueue_dma source(%arg10 : memref<1568x8xf32, #tpu.memory_space<vmem>>) target(%dma_start3A_60 : memref<1568x8xf32, #tpu.memory_space<hbm>>) target_semaphore(%run_scoped3A : memref<!tpu.dma_semaphore, #tpu.memory_space<semaphore_mem>>)
      %dma_wait3A_61 = arith.constant 0 : i32
      %dma_wait3A_62 = tpu.memref_slice %arg5[%arg0, %add3A_50, %dma_wait3A_61] : memref<2x100352x8xf32, #tpu.memory_space<hbm>> -> memref<1x1568x8xf32, #tpu.memory_space<hbm>>
      %dma_wait3A_63 = tpu.memref_squeeze %dma_wait3A_62 : memref<1x1568x8xf32, #tpu.memory_space<hbm>> -> memref<1568x8xf32, #tpu.memory_space<hbm>>
      %dma_wait3A_64 = arith.constant 0 : i32
      %dma_wait3A_65 = tpu.memref_slice %arg5[%arg0, %add3A_50, %dma_wait3A_64] : memref<2x100352x8xf32, #tpu.memory_space<hbm>> -> memref<1x1568x8xf32, #tpu.memory_space<hbm>>
      %dma_wait3A_66 = tpu.memref_squeeze %dma_wait3A_65 : memref<1x1568x8xf32, #tpu.memory_space<hbm>> -> memref<1568x8xf32, #tpu.memory_space<hbm>>
      tpu.wait_dma2 semaphore(%run_scoped3A : memref<!tpu.dma_semaphore, #tpu.memory_space<semaphore_mem>>) src(%arg10 : memref<1568x8xf32, #tpu.memory_space<vmem>>) dst(%dma_wait3A_66 : memref<1568x8xf32, #tpu.memory_space<hbm>>)
      tpu.yield
    }) : () -> ()
    %add3A_51 = arith.constant 3136 : i32
    %add3A_52 = arith.addi %mul3A_2, %add3A_51 : i32
    "tpu.region"() ({
      %run_scoped3A = tpu.sem_alloc : memref<!tpu.dma_semaphore, #tpu.memory_space<semaphore_mem>>
      %dma_start3A_55 = arith.constant 0 : i32
      %dma_start3A_56 = tpu.memref_slice %arg11[%add3A_52, %dma_start3A_55] : memref<100352x8xf32, #tpu.memory_space<vmem_shared>> -> memref<1568x8xf32, #tpu.memory_space<vmem_shared>>
      %dma_start3A_57 = arith.constant 0 : i32
      %dma_start3A_58 = tpu.memref_slice %arg11[%add3A_52, %dma_start3A_57] : memref<100352x8xf32, #tpu.memory_space<vmem_shared>> -> memref<1568x8xf32, #tpu.memory_space<vmem_shared>>
      tpu.enqueue_dma source(%dma_start3A_58 : memref<1568x8xf32, #tpu.memory_space<vmem_shared>>) target(%arg10 : memref<1568x8xf32, #tpu.memory_space<vmem>>) target_semaphore(%run_scoped3A : memref<!tpu.dma_semaphore, #tpu.memory_space<semaphore_mem>>)
      %dma_wait3A_59 = arith.constant 0 : i32
      %dma_wait3A_60 = tpu.memref_slice %arg11[%add3A_52, %dma_wait3A_59] : memref<100352x8xf32, #tpu.memory_space<vmem_shared>> -> memref<1568x8xf32, #tpu.memory_space<vmem_shared>>
      %dma_wait3A_61 = arith.constant 0 : i32
      %dma_wait3A_62 = tpu.memref_slice %arg11[%add3A_52, %dma_wait3A_61] : memref<100352x8xf32, #tpu.memory_space<vmem_shared>> -> memref<1568x8xf32, #tpu.memory_space<vmem_shared>>
      tpu.wait_dma2 semaphore(%run_scoped3A : memref<!tpu.dma_semaphore, #tpu.memory_space<semaphore_mem>>) src(%dma_wait3A_62 : memref<1568x8xf32, #tpu.memory_space<vmem_shared>>) dst(%arg10 : memref<1568x8xf32, #tpu.memory_space<vmem>>)
      tpu.yield
    }) : () -> ()
    "tpu.region"() ({
      %run_scoped3A = tpu.sem_alloc : memref<!tpu.dma_semaphore, #tpu.memory_space<semaphore_mem>>
      %dma_start3A_55 = arith.constant 0 : i32
      %dma_start3A_56 = tpu.memref_slice %arg5[%arg0, %add3A_52, %dma_start3A_55] : memref<2x100352x8xf32, #tpu.memory_space<hbm>> -> memref<1x1568x8xf32, #tpu.memory_space<hbm>>
      %dma_start3A_57 = tpu.memref_squeeze %dma_start3A_56 : memref<1x1568x8xf32, #tpu.memory_space<hbm>> -> memref<1568x8xf32, #tpu.memory_space<hbm>>
      %dma_start3A_58 = arith.constant 0 : i32
      %dma_start3A_59 = tpu.memref_slice %arg5[%arg0, %add3A_52, %dma_start3A_58] : memref<2x100352x8xf32, #tpu.memory_space<hbm>> -> memref<1x1568x8xf32, #tpu.memory_space<hbm>>
      %dma_start3A_60 = tpu.memref_squeeze %dma_start3A_59 : memref<1x1568x8xf32, #tpu.memory_space<hbm>> -> memref<1568x8xf32, #tpu.memory_space<hbm>>
      tpu.enqueue_dma source(%arg10 : memref<1568x8xf32, #tpu.memory_space<vmem>>) target(%dma_start3A_60 : memref<1568x8xf32, #tpu.memory_space<hbm>>) target_semaphore(%run_scoped3A : memref<!tpu.dma_semaphore, #tpu.memory_space<semaphore_mem>>)
      %dma_wait3A_61 = arith.constant 0 : i32
      %dma_wait3A_62 = tpu.memref_slice %arg5[%arg0, %add3A_52, %dma_wait3A_61] : memref<2x100352x8xf32, #tpu.memory_space<hbm>> -> memref<1x1568x8xf32, #tpu.memory_space<hbm>>
      %dma_wait3A_63 = tpu.memref_squeeze %dma_wait3A_62 : memref<1x1568x8xf32, #tpu.memory_space<hbm>> -> memref<1568x8xf32, #tpu.memory_space<hbm>>
      %dma_wait3A_64 = arith.constant 0 : i32
      %dma_wait3A_65 = tpu.memref_slice %arg5[%arg0, %add3A_52, %dma_wait3A_64] : memref<2x100352x8xf32, #tpu.memory_space<hbm>> -> memref<1x1568x8xf32, #tpu.memory_space<hbm>>
      %dma_wait3A_66 = tpu.memref_squeeze %dma_wait3A_65 : memref<1x1568x8xf32, #tpu.memory_space<hbm>> -> memref<1568x8xf32, #tpu.memory_space<hbm>>
      tpu.wait_dma2 semaphore(%run_scoped3A : memref<!tpu.dma_semaphore, #tpu.memory_space<semaphore_mem>>) src(%arg10 : memref<1568x8xf32, #tpu.memory_space<vmem>>) dst(%dma_wait3A_66 : memref<1568x8xf32, #tpu.memory_space<hbm>>)
      tpu.yield
    }) : () -> ()
    %add3A_53 = arith.constant 4704 : i32
    %add3A_54 = arith.addi %mul3A_2, %add3A_53 : i32
    "tpu.region"() ({
      %run_scoped3A = tpu.sem_alloc : memref<!tpu.dma_semaphore, #tpu.memory_space<semaphore_mem>>
      %dma_start3A_55 = arith.constant 0 : i32
      %dma_start3A_56 = tpu.memref_slice %arg11[%add3A_54, %dma_start3A_55] : memref<100352x8xf32, #tpu.memory_space<vmem_shared>> -> memref<1568x8xf32, #tpu.memory_space<vmem_shared>>
      %dma_start3A_57 = arith.constant 0 : i32
      %dma_start3A_58 = tpu.memref_slice %arg11[%add3A_54, %dma_start3A_57] : memref<100352x8xf32, #tpu.memory_space<vmem_shared>> -> memref<1568x8xf32, #tpu.memory_space<vmem_shared>>
      tpu.enqueue_dma source(%dma_start3A_58 : memref<1568x8xf32, #tpu.memory_space<vmem_shared>>) target(%arg10 : memref<1568x8xf32, #tpu.memory_space<vmem>>) target_semaphore(%run_scoped3A : memref<!tpu.dma_semaphore, #tpu.memory_space<semaphore_mem>>)
      %dma_wait3A_59 = arith.constant 0 : i32
      %dma_wait3A_60 = tpu.memref_slice %arg11[%add3A_54, %dma_wait3A_59] : memref<100352x8xf32, #tpu.memory_space<vmem_shared>> -> memref<1568x8xf32, #tpu.memory_space<vmem_shared>>
      %dma_wait3A_61 = arith.constant 0 : i32
      %dma_wait3A_62 = tpu.memref_slice %arg11[%add3A_54, %dma_wait3A_61] : memref<100352x8xf32, #tpu.memory_space<vmem_shared>> -> memref<1568x8xf32, #tpu.memory_space<vmem_shared>>
      tpu.wait_dma2 semaphore(%run_scoped3A : memref<!tpu.dma_semaphore, #tpu.memory_space<semaphore_mem>>) src(%dma_wait3A_62 : memref<1568x8xf32, #tpu.memory_space<vmem_shared>>) dst(%arg10 : memref<1568x8xf32, #tpu.memory_space<vmem>>)
      tpu.yield
    }) : () -> ()
    "tpu.region"() ({
      %run_scoped3A = tpu.sem_alloc : memref<!tpu.dma_semaphore, #tpu.memory_space<semaphore_mem>>
      %dma_start3A_55 = arith.constant 0 : i32
      %dma_start3A_56 = tpu.memref_slice %arg5[%arg0, %add3A_54, %dma_start3A_55] : memref<2x100352x8xf32, #tpu.memory_space<hbm>> -> memref<1x1568x8xf32, #tpu.memory_space<hbm>>
      %dma_start3A_57 = tpu.memref_squeeze %dma_start3A_56 : memref<1x1568x8xf32, #tpu.memory_space<hbm>> -> memref<1568x8xf32, #tpu.memory_space<hbm>>
      %dma_start3A_58 = arith.constant 0 : i32
      %dma_start3A_59 = tpu.memref_slice %arg5[%arg0, %add3A_54, %dma_start3A_58] : memref<2x100352x8xf32, #tpu.memory_space<hbm>> -> memref<1x1568x8xf32, #tpu.memory_space<hbm>>
      %dma_start3A_60 = tpu.memref_squeeze %dma_start3A_59 : memref<1x1568x8xf32, #tpu.memory_space<hbm>> -> memref<1568x8xf32, #tpu.memory_space<hbm>>
      tpu.enqueue_dma source(%arg10 : memref<1568x8xf32, #tpu.memory_space<vmem>>) target(%dma_start3A_60 : memref<1568x8xf32, #tpu.memory_space<hbm>>) target_semaphore(%run_scoped3A : memref<!tpu.dma_semaphore, #tpu.memory_space<semaphore_mem>>)
      %dma_wait3A_61 = arith.constant 0 : i32
      %dma_wait3A_62 = tpu.memref_slice %arg5[%arg0, %add3A_54, %dma_wait3A_61] : memref<2x100352x8xf32, #tpu.memory_space<hbm>> -> memref<1x1568x8xf32, #tpu.memory_space<hbm>>
      %dma_wait3A_63 = tpu.memref_squeeze %dma_wait3A_62 : memref<1x1568x8xf32, #tpu.memory_space<hbm>> -> memref<1568x8xf32, #tpu.memory_space<hbm>>
      %dma_wait3A_64 = arith.constant 0 : i32
      %dma_wait3A_65 = tpu.memref_slice %arg5[%arg0, %add3A_54, %dma_wait3A_64] : memref<2x100352x8xf32, #tpu.memory_space<hbm>> -> memref<1x1568x8xf32, #tpu.memory_space<hbm>>
      %dma_wait3A_66 = tpu.memref_squeeze %dma_wait3A_65 : memref<1x1568x8xf32, #tpu.memory_space<hbm>> -> memref<1568x8xf32, #tpu.memory_space<hbm>>
      tpu.wait_dma2 semaphore(%run_scoped3A : memref<!tpu.dma_semaphore, #tpu.memory_space<semaphore_mem>>) src(%arg10 : memref<1568x8xf32, #tpu.memory_space<vmem>>) dst(%dma_wait3A_66 : memref<1568x8xf32, #tpu.memory_space<hbm>>)
      tpu.yield
    }) : () -> ()
    return
  }
}

module attributes {stable_mosaic.version = 14 : i64} {
  func.func @_finalize_body(%arg0: i32, %arg1: memref<2x6272x8xf32, #tpu.memory_space<vmem>>, %arg2: memref<8x4xf32, #tpu.memory_space<vmem>>, %arg3: memref<8x1xf32, #tpu.memory_space<vmem>>, %arg4: memref<1x4xf32, #tpu.memory_space<vmem>>, %arg5: memref<4x2xf32, #tpu.memory_space<vmem>>, %arg6: memref<1x2xf32, #tpu.memory_space<vmem>>, %arg7: memref<6272x2xf32, #tpu.memory_space<vmem>>) attributes {dimension_semantics = [#tpu.dimension_semantics<arbitrary>], iteration_bounds = array<i64: 16>, scalar_prefetch = 0 : i64, scratch_operands = 0 : i64, tpu.core_type = #tpu.core_type<tc>, window_params = [{transform_indices = @transform_0, window_bounds = array<i64: 2, 6272, 8>}, {pipeline_mode = #tpu.pipeline_mode<synchronous>, transform_indices = @transform_1, window_bounds = array<i64: 8, 4>}, {pipeline_mode = #tpu.pipeline_mode<synchronous>, transform_indices = @transform_2, window_bounds = array<i64: 8, 1>}, {pipeline_mode = #tpu.pipeline_mode<synchronous>, transform_indices = @transform_3, window_bounds = array<i64: 1, 4>}, {pipeline_mode = #tpu.pipeline_mode<synchronous>, transform_indices = @transform_4, window_bounds = array<i64: 4, 2>}, {pipeline_mode = #tpu.pipeline_mode<synchronous>, transform_indices = @transform_5, window_bounds = array<i64: 1, 2>}, {transform_indices = @transform_6, window_bounds = array<i64: 6272, 2>}]} {
    %get3A = arith.constant 0 : index
    %get3A_0 = arith.constant 0 : index
    %get3A_1 = arith.constant 0 : index
    %get3A_2 = vector.load %arg1[%get3A, %get3A_0, %get3A_1] : memref<2x6272x8xf32, #tpu.memory_space<vmem>>, vector<1x6272x8xf32>
    %get3A_3 = vector.shape_cast %get3A_2 : vector<1x6272x8xf32> to vector<6272x8xf32>
    %get3A_4 = arith.constant 1 : index
    %get3A_5 = arith.constant 0 : index
    %get3A_6 = arith.constant 0 : index
    %get3A_7 = vector.load %arg1[%get3A_4, %get3A_5, %get3A_6] : memref<2x6272x8xf32, #tpu.memory_space<vmem>>, vector<1x6272x8xf32>
    %get3A_8 = vector.shape_cast %get3A_7 : vector<1x6272x8xf32> to vector<6272x8xf32>
    %add3A = arith.addf %get3A_3, %get3A_8 : vector<6272x8xf32>
    %get3A_9 = arith.constant 0 : index
    %get3A_10 = arith.constant 0 : index
    %get3A_11 = vector.load %arg3[%get3A_9, %get3A_10] : memref<8x1xf32, #tpu.memory_space<vmem>>, vector<8x1xf32>
    %dot_general3A = arith.constant dense<0.000000e+00> : vector<6272x1xf32>
    %dot_general3A_12 = tpu.matmul %add3A, %get3A_11, %dot_general3A {dimension_numbers = #tpu.dot_dimension_numbers<[1], [0], [0], [1], [0, 0, 1, 1], [], []>, transpose_lhs_hint = false} : vector<6272x8xf32>, vector<8x1xf32>, vector<6272x1xf32> -> vector<6272x1xf32>
    %max3A = arith.constant 1.000000e+00 : f32
    %max3A_13 = vector.broadcast %max3A : f32 to vector<6272x1xf32>
    %max3A_14 = arith.maximumf %dot_general3A_12, %max3A_13 : vector<6272x1xf32>
    %get3A_15 = arith.constant 0 : index
    %get3A_16 = arith.constant 0 : index
    %get3A_17 = vector.load %arg2[%get3A_15, %get3A_16] : memref<8x4xf32, #tpu.memory_space<vmem>>, vector<8x4xf32>
    %dot_general3A_18 = arith.constant dense<0.000000e+00> : vector<6272x4xf32>
    %dot_general3A_19 = tpu.matmul %add3A, %get3A_17, %dot_general3A_18 {dimension_numbers = #tpu.dot_dimension_numbers<[1], [0], [0], [1], [0, 0, 1, 1], [], []>, transpose_lhs_hint = false} : vector<6272x8xf32>, vector<8x4xf32>, vector<6272x4xf32> -> vector<6272x4xf32>
    %get3A_20 = arith.constant 0 : index
    %get3A_21 = arith.constant 0 : index
    %get3A_22 = vector.load %arg4[%get3A_20, %get3A_21] : memref<1x4xf32, #tpu.memory_space<vmem>>, vector<1x4xf32>
    %mul3A = vector.broadcast %dot_general3A_12 : vector<6272x1xf32> to vector<6272x4xf32>
    %mul3A_23 = vector.broadcast %get3A_22 : vector<1x4xf32> to vector<6272x4xf32>
    %mul3A_24 = arith.mulf %mul3A, %mul3A_23 : vector<6272x4xf32>
    %add3A_25 = arith.addf %dot_general3A_19, %mul3A_24 : vector<6272x4xf32>
    %div3A = vector.broadcast %max3A_14 : vector<6272x1xf32> to vector<6272x4xf32>
    %div3A_26 = arith.divf %add3A_25, %div3A : vector<6272x4xf32>
    %get3A_27 = arith.constant 0 : index
    %get3A_28 = arith.constant 0 : index
    %get3A_29 = vector.load %arg5[%get3A_27, %get3A_28] : memref<4x2xf32, #tpu.memory_space<vmem>>, vector<4x2xf32>
    %dot_general3A_30 = arith.constant dense<0.000000e+00> : vector<6272x2xf32>
    %dot_general3A_31 = tpu.matmul %div3A_26, %get3A_29, %dot_general3A_30 {dimension_numbers = #tpu.dot_dimension_numbers<[1], [0], [0], [1], [0, 0, 1, 1], [], []>, transpose_lhs_hint = false} : vector<6272x4xf32>, vector<4x2xf32>, vector<6272x2xf32> -> vector<6272x2xf32>
    %get3A_32 = arith.constant 0 : index
    %get3A_33 = arith.constant 0 : index
    %get3A_34 = vector.load %arg6[%get3A_32, %get3A_33] : memref<1x2xf32, #tpu.memory_space<vmem>>, vector<1x2xf32>
    %add3A_35 = vector.broadcast %get3A_34 : vector<1x2xf32> to vector<6272x2xf32>
    %add3A_36 = arith.addf %dot_general3A_31, %add3A_35 : vector<6272x2xf32>
    %swap3A = arith.constant 0 : index
    %swap3A_37 = arith.constant 0 : index
    %swap3A_38 = vector.load %arg7[%swap3A, %swap3A_37] : memref<6272x2xf32, #tpu.memory_space<vmem>>, vector<6272x2xf32>
    tpu.vector_store %arg7[%swap3A, %swap3A_37], %add3A_36 {strides = array<i32>} : memref<6272x2xf32, #tpu.memory_space<vmem>>, vector<6272x2xf32>,
    return
  }
  func.func @transform_0(%arg0: i32) -> (i32, i32, i32) {
    %c0_i32 = arith.constant 0 : i32
    %c0_i32_0 = arith.constant 0 : i32
    %c0_i32_1 = arith.constant 0 : i32
    return %c0_i32, %arg0, %c0_i32_0 : i32, i32, i32
  }
  func.func @transform_1(%arg0: i32) -> (i32, i32) {
    %c0_i32 = arith.constant 0 : i32
    %c0_i32_0 = arith.constant 0 : i32
    %c0_i32_1 = arith.constant 0 : i32
    return %c0_i32, %c0_i32_0 : i32, i32
  }
  func.func @transform_2(%arg0: i32) -> (i32, i32) {
    %c0_i32 = arith.constant 0 : i32
    %c0_i32_0 = arith.constant 0 : i32
    %c0_i32_1 = arith.constant 0 : i32
    return %c0_i32, %c0_i32_0 : i32, i32
  }
  func.func @transform_3(%arg0: i32) -> (i32, i32) {
    %c0_i32 = arith.constant 0 : i32
    %c0_i32_0 = arith.constant 0 : i32
    %c0_i32_1 = arith.constant 0 : i32
    return %c0_i32, %c0_i32_0 : i32, i32
  }
  func.func @transform_4(%arg0: i32) -> (i32, i32) {
    %c0_i32 = arith.constant 0 : i32
    %c0_i32_0 = arith.constant 0 : i32
    %c0_i32_1 = arith.constant 0 : i32
    return %c0_i32, %c0_i32_0 : i32, i32
  }
  func.func @transform_5(%arg0: i32) -> (i32, i32) {
    %c0_i32 = arith.constant 0 : i32
    %c0_i32_0 = arith.constant 0 : i32
    %c0_i32_1 = arith.constant 0 : i32
    return %c0_i32, %c0_i32_0 : i32, i32
  }
  func.func @transform_6(%arg0: i32) -> (i32, i32) {
    %c0_i32 = arith.constant 0 : i32
    %c0_i32_0 = arith.constant 0 : i32
    return %arg0, %c0_i32 : i32, i32
  }
}

</mosaic_0001>

<sc_bundles>
// kernel: kernel.4.cloned.1.call-start
scs
__scs_entry_jumppad:
0x0: {  	(pc) =	sbr.rel $0x88, $3  }
0x1: {  	(tag) =	ssettag $0x0;
	lr =	simm.s32 $0x1  }
0x2: {  	[smem:$0x3F9B] =	sst lr;
	_ =	strace $0xD0000000  }
0x3: {  	_ = 	snop  }
0x4: {  	_ = 	snop  }
0x5: {  	_ = 	snop  }
0x6: {  	_ = 	snop  }
0x7: {  	_ = 	snop  }
__scs_overlays_trampoline_lowered:
0x8: {  	[smem:$0x3FAA] =	sst s0  }
0x9: {  	[smem:$0x3FAB] =	sst s1  }
0xa: {  	[smem:$0x3FAC] =	sst s2  }
0xb: {  	[smem:$0x3FAD] =	sst s3  }
0xc: {  	[smem:$0x3FAE] =	sst s4  }
0xd: {  	[smem:$0x3FAF] =	sst s5  }
0xe: {  	[smem:$0x3FB0] =	sst s6  }
0xf: {  	[smem:$0x3FB1] =	sst s7  }
0x10: {  	[smem:$0x3FB2] =	sst s8  }
0x11: {  	[smem:$0x3FB3] =	sst s9;
	s0 =	simm.s32 @!p0 $0x0  }
0x12: {  	s1 =	sld [smem:$0x3F99];
	s0 =	simm.s32 @p0 $0x1  }
0x13: {  	[smem:$0x3FB4] =	sst s0;
	s0 =	simm.s32 @!p1 $0x0  }
0x14: {  	s2 =	sld [smem:$0x3F98];
	s0 =	simm.s32 @p1 $0x1  }
0x15: {  	[smem:$0x3FB5] =	sst s0;
	s0 =	simm.s32 @!p2 $0x0  }
0x16: {  	s3 =	sld [smem:$0x3FDB];
	s0 =	simm.s32 @p2 $0x1  }
0x17: {  	s4 =	simm.s32 $0x1BF5;
	[smem:$0x3FB7] =	sst s0  }
0x18: {  	s0 =	sld [smem:$0x3F9A];
	_ =	swait.ge [sflag:s4], $0x0  }
0x19: {  	s7 =	sld [smem:$0x3F9B]  }
0x1a: {  	s8 =	sadd.s32 $0xFFFFE003, lr  }
0x1b: {  	s9 =	sadd.s32 $0xFFFFFEF7, lr;
	s5 =	simm.s32 $0xFFFFFFFF;
	p2 =	slt.u32 s8, $0xFFFFF086  }
0x1c: {  	p1 =	slt.u32 s9, $0xF7A;
	s5 =	simm.s32 @!p2 $0x0  }
0x1d: {  	s5 =	simm.s32 @p1 $0x1;
	p0 =	seq.s32 s7, s2  }
0x1e: {  	s7 =	smul.u32 @!p0 $0xF7A, s2;
	p2 =	seq.s32 @!p0 s5, $0x0  }
0x1f: {  	s9 =	smul.u32 $0xF7A, s1;
	s8 =	simm.s32 @!p0 $0x1BF5;
	p2 =	por !p2, p0  }
0x20: {  	[sflag:s8] =	ssyncset.s32 @!p0 $0xFFFFF086;
	s6 =	sadd.s32 @!p0 s3, s7;
	s7 =	simm.s32 @!p0 $0x108  }
0x21: {  	s3 =	sadd.s32 s3, s9;
	s6 =	sadd.s32 @!p0 $0x88, s6;
	s7 =	simm.s32 @p2 $0x1082  }
0x22: {  	[simem:s7], [sflag:s8] =	dma.local @!p0 [hbm:s6], $0xF7A  }
0x23: {  	s9 =	sor.u32 $0xD0000000, s2;
	s6 =	simm.s32 $0x108;
	_ =	swait.ge @!p0 [sflag:s8], $0x0  }
0x24: {  	s3 =	sadd.s32 $0x88, s3;
	s6 =	simm.s32 @!p1 $0x1082;
	[sflag:s4] =	ssyncset.s32 $0xFFFFF086  }
0x25: {  	[simem:s6], [sflag:s4] =	dma.local [hbm:s3], $0xF7A  }
0x26: {  	[smem:$0x3F9B] =	sst s1;
	(tag) =	ssettag s2;
	_ =	strace s9  }
0x27: {  	s1 =	sld [smem:$0x3FAB]  }
0x28: {  	s2 =	sld [smem:$0x3FAC]  }
0x29: {  	s4 =	sld [smem:$0x3FAE]  }
0x2a: {  	p0 =	seq.s32 s5, $0x0;
	s5 =	sld [smem:$0x3FAF]  }
0x2b: {  	s6 =	sld [smem:$0x3FB0]  }
0x2c: {  	s7 =	sld [smem:$0x3FB1]  }
0x2d: {  	s3 =	simm.s32 $0x108;
	s8 =	sld [smem:$0x3FB2]  }
0x2e: {  	s3 =	simm.s32 @!p0 $0x1082;
	s9 =	sld [smem:$0x3FB3]  }
0x2f: {  	lr =	sadd.s32 s0, s3;
	s0 =	sld [smem:$0x3FAA]  }
0x30: {  	s3 =	sld [smem:$0x3FAD]  }
0x31: {  	[smem:$0x3FB6] =	sst s10  }
0x32: {  	s10 =	sld [smem:$0x3FB4];
	_ =	sdelay $0x3  }
0x33: {  	p0 =	seq.s32 s10, $0x1;
	s10 =	sld [smem:$0x3FB6];
	_ =	sdelay $0x3  }
0x34: {  	[smem:$0x3FB6] =	sst s10  }
0x35: {  	s10 =	sld [smem:$0x3FB5];
	_ =	sdelay $0x3  }
0x36: {  	p1 =	seq.s32 s10, $0x1;
	s10 =	sld [smem:$0x3FB6];
	_ =	sdelay $0x3  }
0x37: {  	[smem:$0x3FB6] =	sst s10  }
0x38: {  	s10 =	sld [smem:$0x3FB7]  }
0x39: {  	_ = 	snop;
	(pc) =	sbr.ind lr, $3  }
0x3a: {  	_ = 	snop  }
0x3b: {  	_ = 	snop  }
0x3c: {  	p2 =	seq.s32 s10, $0x1;
	s10 =	sld [smem:$0x3FB6]  }
0x3d: {  	_ =	shalt  }
0x3e: {  	_ =	shalt  }
0x3f: {  	_ =	shalt  }
0x40: {  	_ =	shalt  }
0x41: {  	_ =	shalt  }
0x42: {  	_ =	shalt  }
0x43: {  	_ =	shalt  }
0x44: {  	_ =	shalt  }
0x45: {  	_ =	shalt  }
0x46: {  	_ =	shalt  }
0x47: {  	_ =	shalt  }
0x48: {  	_ =	shalt  }
0x49: {  	_ =	shalt  }
0x4a: {  	_ =	shalt  }
0x4b: {  	_ =	shalt  }
0x4c: {  	_ =	shalt  }
0x4d: {  	_ =	shalt  }
0x4e: {  	_ =	shalt  }
0x4f: {  	_ =	shalt  }
0x50: {  	_ =	shalt  }
0x51: {  	_ =	shalt  }
0x52: {  	_ =	shalt  }
0x53: {  	_ =	shalt  }
0x54: {  	_ =	shalt  }
0x55: {  	_ =	shalt  }
0x56: {  	_ =	shalt  }
0x57: {  	_ =	shalt  }
0x58: {  	_ =	shalt  }
0x59: {  	_ =	shalt  }
0x5a: {  	_ =	shalt  }
0x5b: {  	_ =	shalt  }
0x5c: {  	_ =	shalt  }
0x5d: {  	_ =	shalt  }
0x5e: {  	_ =	shalt  }
0x5f: {  	_ =	shalt  }
0x60: {  	_ =	shalt  }
0x61: {  	_ =	shalt  }
0x62: {  	_ =	shalt  }
0x63: {  	_ =	shalt  }
0x64: {  	_ =	shalt  }
0x65: {  	_ =	shalt  }
0x66: {  	_ =	shalt  }
0x67: {  	_ =	shalt  }
0x68: {  	_ =	shalt  }
0x69: {  	_ =	shalt  }
0x6a: {  	_ =	shalt  }
0x6b: {  	_ =	shalt  }
0x6c: {  	_ =	shalt  }
0x6d: {  	_ =	shalt  }
0x6e: {  	_ =	shalt  }
0x6f: {  	_ =	shalt  }
0x70: {  	_ =	shalt  }
0x71: {  	_ =	shalt  }
0x72: {  	_ =	shalt  }
0x73: {  	_ =	shalt  }
0x74: {  	_ =	shalt  }
0x75: {  	_ =	shalt  }
0x76: {  	_ =	shalt  }
0x77: {  	_ =	shalt  }
0x78: {  	_ =	shalt  }
0x79: {  	_ =	shalt  }
0x7a: {  	_ =	shalt  }
0x7b: {  	_ =	shalt  }
0x7c: {  	_ =	shalt  }
0x7d: {  	_ =	shalt  }
0x7e: {  	_ =	shalt  }
0x7f: {  	_ =	shalt  }
0x80: {  	_ =	shalt  }
0x81: {  	_ =	shalt  }
0x82: {  	_ =	shalt  }
0x83: {  	_ =	shalt  }
0x84: {  	_ =	shalt  }
0x85: {  	_ =	shalt  }
0x86: {  	_ =	shalt  }
0x87: {  	_ =	shalt  }
.Lfunc_end0:
.L_simem_size_0:
called_computation.1_lowered:
.L_overlay_start_0:
0x88: {  	s2 =	sld [smem:$0x3FD9]  }
0x89: {  	s3 =	sld [smem:$0x3FFE];
	_ =	sdelay $0x1  }
0x8a: {  	s1 =	srdreg.scid  }
0x8b: {  	s0 =	sand.u32 $0x1, s1  }
0x8c: {  	s17 =	sshll.u32 s0, $0xA;
	s2 =	sadd.s32 s3, s2  }
0x8d: {  	s2 =	sadd.s32 s2, s17  }
0x8e: {  	[smem:$0x3FC2] =	sst s2  }
0x8f: {  	_ = 	snop  }
0x90: {  	s2 =	sld [smem:$0x3FD0];
	(tm) =	ssettm $0x1  }
0x91: {  	s18 =	sld [smem:$0x3FFB];
	_ =	sdelay $0x3  }
0x92: {  	_ =	strace s18  }
0x93: {  	s3 =	sld [smem:$0x3FFC];
	_ =	sdelay $0x3  }
0x94: {  	_ =	strace s3  }
0x95: {  	s3 =	sld [smem:$0x3FFD];
	_ =	sdelay $0x3  }
0x96: {  	_ =	strace s3  }
0x97: {  	_ =	strace $0x8FFFFFFF  }
0x98: {  	s19 =	sld [smem:$0x3FDB];
	_ =	sdelay $0x1  }
0x99: {  	s4 =	simm.s32 $_scs_section_size  }
0x9a: {  	s5 =	simm.s32 $_size__tile_overlayer_lowered;
	s6 =	simm.s32 $_tile_overlayer_lowered  }
0x9b: {  	s22 =	simm.s32 $0x1BFF;
	s21 =	sshll.u32 s6, $0x1;
	s3 =	sadd.s32 s4, s19  }
0x9c: {  	s7 =	simm.s32 $0x0;
	s20 =	sshll.u32 s5, $0x1;
	s5 =	sadd.s32 s21, s3  }
0x9d: {  	[timem:s7], [sflag:s22] =	dma.local [hbm:s5], s20  }
0x9e: {  	_ =	swait.ge [sflag:s22], s20  }
0x9f: {  	s4 =	ssub.s32 $0x0, s20;
	[sflag:s22] =	ssyncset.done $0x0  }
0xa0: {  	[sflag:s22] =	ssyncadd.s32 s4;
	_ =	sdelay $0x1  }
0xa1: {  	s23 =	simm.s32 $0x1B8B  }
0xa2: {  	_ =	swait.ge [sflag:s23], $0x1  }
0xa3: {  	[sflag:s23] =	ssyncset.done $0x0  }
0xa4: {  	s25 =	simm.s32 $0x1B8E;
	s24 =	sld [smem:$0x3FFE];
	[sflag:s23] =	ssyncadd.s32 $0xFFFFFFFF  }
0xa5: {  	s26 =	simm.s32 $execute0_lowered;
	[smem:$0x3FD2] =	sst s25  }
0xa6: {  	s5 =	sshll.u32 s26, $0x1;
	_ =	strace $0x80000049;
	[dreg:$0x1] =	wrdreg $0xFFFFFFFF  }
0xa7: {  	s28 =	simm.s32 $_size_execute0_lowered;
	s3 =	sadd.s32 s3, s5;
	[dreg:$0x0] =	wrdreg $0x0  }
0xa8: {  	s5 =	sshll.u32 s28, $0x1;
	[dreg:$0x2] =	wrdreg s3  }
0xa9: {  	[dreg:$0x3] =	wrdreg s5  }
0xaa: {  	[dreg:$0x4] =	wrdreg $0xC0  }
0xab: {  	_ =	task [dreg:s7], $0x5FFFF  }
0xac: {  	[dreg:$0x1] =	wrdreg $0xFFFFFFFF  }
0xad: {  	[dreg:$0x0] =	wrdreg $0x60  }
0xae: {  	[dreg:$0x2] =	wrdreg s24  }
0xaf: {  	[dreg:$0x3] =	wrdreg s2  }
0xb0: {  	[dreg:$0x4] =	wrdreg $0xBE000  }
0xb1: {  	[dreg:$0x5] =	wrdreg $0x9  }
0xb2: {  	_ =	task.clear_ibuf [dreg:s7], $0x6FFFF;
	_ =	strace $0x90000049  }
0xb3: {  	s29 =	simm.s32 $0x9;
	_ =	strace $0x8000004B  }
0xb4: {  	_ =	swait.ge [sflag:s29], $0x1  }
0xb5: {  	[sflag:s29] =	ssyncadd.s32 $0xFFFFFFFF  }
0xb6: {  	_ =	strace $0x9000004B  }
0xb7: {  	_ =	sfence  }
0xb8: {  	s30 =	sld [smem:$0x0];
	_ =	sdelay $0x2  }
0xb9: {  	s31 =	sshll.u32 s1, $0xD;
	s1 =	sshrl.u32 s1, $0x2  }
0xba: {  	s3 =	sand.u32 $0x4000, s31;
	s1 =	sadd.s32 s1, s30  }
0xbb: {  	s0 =	sor.u32 s3, s0;
	s1 =	sshll.u32 s1, $0x11  }
0xbc: {  	s0 =	sor.u32 s1, s0  }
0xbd: {  	s0 =	sadd.s32 $0x8F2B, s0  }
0xbe: {  	[sflag:s0] =	ssyncadd.remote.s32 $0x1  }
0xbf: {  	_ =	sfence.sel $0xFFFF  }
0xc0: {  	[dreg:$0x0] =	wrdreg $0xFFFFFFFF;
	(pc) =	sbr.abs _section_cstart, $3  }
0xc1: {  	[dreg:$0x1] =	wrdreg $0xFFFFFFFF  }
0xc2: {  	_ =	task.clear_ibuf [dreg:s7], $0x2FFFF;
	_ =	strace $0x9FFFFFFF  }
0xc3: {  	(tm) =	ssettm $0x7FFFFFFF  }
tec
execute0_lowered:
.L_overlay_start_1:
0x0: {  	(tag) =	ssettag $0x1  }
0x1: {  	s2 =	rddreg [dreg:$0x0]  }
0x2: {  	s3 =	rddreg [dreg:$0x2];
	s4 =	simm.s32 $0x0  }
0x3: {  	s18 =	simm.s32 $0x3F00;
	[smem:$0x7FF] =	sst s4  }
0x4: {  	s19 =	simm.s32 $0x3E8;
	_ =	strace $0x8000004A;
	[dreg:$0x5] =	wrdreg s18  }
0x5: {  	s20 =	simm.s32 $0x3F80;
	[dreg:$0x6] =	wrdreg s19  }
0x6: {  	s21 =	simm.s32 $0x7D0;
	[dreg:$0x7] =	wrdreg s20  }
0x7: {  	s22 =	simm.s32 $0x4000;
	[dreg:$0x8] =	wrdreg s21  }
0x8: {  	s23 =	simm.s32 $0xBB8;
	[dreg:$0x9] =	wrdreg s22  }
0x9: {  	s5 =	simm.s32 $0x4080;
	[dreg:$0xa] =	wrdreg s23  }
0xa: {  	s6 =	simm.s32 $0xFA0;
	[dreg:$0xb] =	wrdreg s5  }
0xb: {  	s24 =	simm.s32 $0x4100;
	[dreg:$0xc] =	wrdreg s6  }
0xc: {  	s25 =	simm.s32 $0x1388;
	[dreg:$0xd] =	wrdreg s24  }
0xd: {  	s26 =	simm.s32 $0x4180;
	[dreg:$0xe] =	wrdreg s25  }
0xe: {  	s10 =	simm.s32 $0x4200;
	[dreg:$0xf] =	wrdreg s26  }
0xf: {  	s12 =	simm.s32 $0x1F40;
	[dreg:$0x11] =	wrdreg s10  }
0x10: {  	s13 =	simm.s32 $0x4300;
	[dreg:$0x14] =	wrdreg s12  }
0x11: {  	s14 =	simm.s32 $0x2328;
	[dreg:$0x15] =	wrdreg s13  }
0x12: {  	s0 =	srdreg.scid;
	s5 =	simm.s32 $0x1770;
	[dreg:$0x16] =	wrdreg s14  }
0x13: {  	s15 =	stileid.u32;
	s10 =	simm.s32 $0x4280;
	[dreg:$0x10] =	wrdreg s5  }
0x14: {  	s28 =	simm.s32 $0x1;
	s18 =	simm.s32 $0x4380;
	[dreg:$0x13] =	wrdreg s10  }
0x15: {  	s29 =	simm.s32 $0x4;
	s20 =	simm.s32 $0x2710;
	[dreg:$0x17] =	wrdreg s18  }
0x16: {  	s30 =	simm.s32 $0x5;
	s22 =	simm.s32 $0x4400;
	[dreg:$0x18] =	wrdreg s20  }
0x17: {  	s31 =	simm.s32 $0x8118;
	s23 =	simm.s32 $0x2AF8;
	[dreg:$0x19] =	wrdreg s22  }
0x18: {  	s0 =	sand.u32 $0x1, s0;
	s24 =	simm.s32 $0x4480;
	[dreg:$0x1a] =	wrdreg s23  }
0x19: {  	s1 =	sshll.u32 s15, $0x1;
	s25 =	simm.s32 $0x2EE0;
	[dreg:$0x1b] =	wrdreg s24  }
0x1a: {  	s11 =	smul.u32 $0xC400, s15;
	s26 =	simm.s32 $0x4500;
	[dreg:$0x1c] =	wrdreg s25  }
0x1b: {  	s7 =	sor.u32 s0, s1;
	[dreg:$0x1d] =	wrdreg s26;
	s10 =	simm.s32 $0x32C8  }
0x1c: {  	s19 =	sadd.s32 $0x67C3A00, s2;
	s22 =	simm.s32 $0x36B0;
	[dreg:$0x1e] =	wrdreg s10  }
0x1d: {  	s8 =	ssub.s32 $0x2, s0;
	s23 =	simm.s32 $0x4600;
	[smem:$0x7D9] =	sst s22  }
0x1e: {  	s14 =	smul.u32 $0xC4000, s0;
	s25 =	simm.s32 $0x3A98;
	[smem:$0x7DA] =	sst s23  }
0x1f: {  	s1 =	smul.u32 $0x32000, s7;
	s26 =	simm.s32 $0x8580;
	[smem:$0x7DB] =	sst s25  }
0x20: {  	s9 =	sshrl.u32 s8, $0x1;
	s5 =	sadd.s32 s11, s3;
	[smem:$0x7DD] =	sst s26  }
0x21: {  	s12 =	sadd.s32 $0x6200, s11;
	s13 =	sadd.s32 $0x9300, s11;
	[smem:$0x7FA] =	sst s5  }
0x22: {  	s6 =	ssub.s32 s8, s9;
	s9 =	simm.s32 $0x1B58;
	[dreg:$0x4] =	wrdreg s1  }
0x23: {  	s21 =	smul.u32 $0x30D40, s7;
	s10 =	simm.s32 $0x8600;
	[dreg:$0x12] =	wrdreg s9  }
0x24: {  	s7 =	smul.u32 $0x6400, s7;
	s22 =	simm.s32 $0x5620;
	[smem:$0x7DF] =	sst s10  }
0x25: {  	s17 =	sadd.s32 s12, s3;
	s26 =	simm.s32 $0x5A08;
	[smem:$0x7E6] =	sst s22  }
0x26: {  	s18 =	sadd.s32 s13, s3;
	s23 =	smul.u32 $0x64000, s15;
	[smem:$0x7E9] =	sst s26  }
0x27: {  	s13 =	sadd.s32 s14, s13;
	s25 =	smul.u32 $0x32000, s0;
	[smem:$0x7FC] =	sst s17  }
0x28: {  	s1 =	sadd.s32 $0x1200, s2;
	s7 =	sadd.s32 s19, s7;
	[smem:$0x7FD] =	sst s18  }
0x29: {  	s9 =	sadd.s32 $0x3100, s11;
	s6 =	smax.u32 s6, $0x1;
	[smem:$0x7D7] =	sst s7  }
0x2a: {  	s11 =	sadd.s32 s11, s14;
	s10 =	simm.s32 $0x61D8;
	[smem:$0x7E8] =	sst s6  }
0x2b: {  	s22 =	simm.s32 $0x6D90;
	s26 =	simm.s32 $0x7560;
	[smem:$0x7EE] =	sst s10  }
0x2c: {  	s16 =	sadd.s32 s9, s3;
	s20 =	sadd.s32 s1, s21;
	[smem:$0x7F5] =	sst s22  }
0x2d: {  	s21 =	simm.s32 $0x4580;
	s8 =	sshrl.u32 s11, $0x3;
	[smem:$0x7F9] =	sst s26  }
0x2e: {  	s24 =	sadd.s32 s14, s9;
	s11 =	simm.s32 $0x4E50;
	[dreg:$0x1f] =	wrdreg s21  }
0x2f: {  	s9 =	sadd.s32 s14, s12;
	s12 =	simm.s32 $0x8680;
	[smem:$0x7E1] =	sst s11  }
0x30: {  	s0 =	smul.u32 $0x30D40, s0;
	s14 =	simm.s32 $0x5238;
	[smem:$0x7E2] =	sst s12  }
0x31: {  	s2 =	sadd.s32 $0x61BA00, s2;
	s6 =	simm.s32 $0x8800;
	[smem:$0x7E3] =	sst s14  }
0x32: {  	s7 =	sadd.s32 s25, s23;
	s23 =	simm.s32 $0x8A80;
	[smem:$0x7EA] =	sst s6  }
0x33: {  	s25 =	simm.s32 $0x8B00;
	s10 =	simm.s32 $0x4680;
	[smem:$0x7F6] =	sst s23  }
0x34: {  	s26 =	simm.s32 $0x7D;
	s22 =	simm.s32 $0x4680;
	[smem:$0x7F8] =	sst s25  }
0x35: {  	s8 =	sadd.s32 s2, s8;
	s21 =	simm.s32 $0x8700;
	[smem:$0x7FB] =	sst s16  }
0x36: {  	s6 =	sor.u32 $0x800, s7;
	s11 =	simm.s32 $0x8900;
	[smem:$0x7D8] =	sst s8  }
0x37: {  	s12 =	smul.u32 $0x61A80, s15;
	s14 =	simm.s32 $0x8980;
	[smem:$0x7E5] =	sst s21  }
0x38: {  	s15 =	simm.s32 $0x69A8;
	s25 =	simm.s32 $0x8C80;
	[smem:$0x7EF] =	sst s11  }
0x39: {  	s23 =	simm.s32 $0x8500;
	s8 =	sshrl.u32 s24, $0x3;
	[smem:$0x7F1] =	sst s14  }
0x3a: {  	s24 =	simm.s32 $0x8780;
	s6 =	sshrl.u32 s6, $0x3;
	[smem:$0x7F2] =	sst s15  }
0x3b: {  	s21 =	simm.s32 $0x8A00;
	s11 =	simm.s32 $0x8500;
	[smem:$0x7E7] =	sst s24  }
0x3c: {  	s15 =	simm.s32 $0x8C00;
	s8 =	sadd.s32 s2, s8;
	[smem:$0x7F4] =	sst s21  }
0x3d: {  	s6 =	sadd.s32 s6, s19;
	s1 =	sadd.s32 s12, s1;
	[smem:$0x7DC] =	sst s8  }
0x3e: {  	s24 =	simm.s32 $0x7178;
	s21 =	simm.s32 $0x3E80;
	[smem:$0x7ED] =	sst s6  }
0x3f: {  	s8 =	simm.s32 $0x4A68;
	s0 =	sadd.s32 s0, s1;
	[smem:$0x7F7] =	sst s24  }
0x40: {  	[smem:$0x7DE] =	sst s8;
	s8 =	sshrl.u32 s9, $0x3;
	s9 =	simm.s32 $0x8880  }
0x41: {  	s12 =	simm.s32 $0x8B80;
	s0 =	sadd.s32 $0x7D0, s0;
	[smem:$0x7EC] =	sst s9  }
0x42: {  	s1 =	simm.s32 $0x8D00;
	s8 =	sadd.s32 s2, s8;
	[smem:$0x7F3] =	sst s0  }
0x43: {  	[smem:$0x7E0] =	sst s8;
	s8 =	sshrl.u32 s13, $0x3;
	s13 =	simm.s32 $0x65C0  }
0x44: {  	s24 =	simm.s32 $0x7D30;
	s2 =	sadd.s32 s2, s8;
	[smem:$0x7F0] =	sst s13  }
0x45: {  	s6 =	simm.s32 $0x0;
	s8 =	simm.s32 $0x5DF0;
	[smem:$0x7E4] =	sst s2  }
0x46: {  	s13 =	simm.s32 $0x7948;
	[smem:$0x7EB] =	sst s8;
	s2 =	simm.s32 $0x6  }
.LBB2_1:
0x47: {  	[smem:$0x7D6] =	sst s6  }
0x48: {  	s0 =	rddreg [dreg:$0x1]  }
0x49: {  	[tilespmem:s1], [sflag:$0x6] =	stream.linear.gather [hbm4b:s0+s4], $0x3100, $0x38;
	[tilespmem:$0x18200] =	vst v63  }
0x4a: {  	_ =	swait.ge [sflag:s2], $0x3100  }
0x4b: {  	[sflag:s2] =	ssyncset.done $0x0  }
0x4c: {  	[sflag:s2] =	ssyncadd.s32 $0xFFFFCF00  }
0x4d: {  	[spmem:s5] =	stream.linear.scatter [tilespmem:s1], [sflag:$0x6], $0x3100, $0x38;
	[tilespmem:$0x18200] =	vst v63  }
0x4e: {  	_ =	swait.ge [sflag:s2], $0x3100  }
0x4f: {  	[sflag:s2] =	ssyncset.done $0x0  }
0x50: {  	[sflag:s2] =	ssyncadd.s32 $0xFFFFCF00  }
0x51: {  	[spmem:s16] =	stream.linear.scatter [tilespmem:s1], [sflag:$0x6], $0x3100, $0x38;
	[tilespmem:$0x18200] =	vst v63  }
0x52: {  	_ =	swait.ge [sflag:s2], $0x3100  }
0x53: {  	[sflag:s2] =	ssyncset.done $0x0  }
0x54: {  	[sflag:s2] =	ssyncadd.s32 $0xFFFFCF00  }
0x55: {  	[spmem:s17] =	stream.linear.scatter [tilespmem:s1], [sflag:$0x6], $0x3100, $0x38;
	[tilespmem:$0x18200] =	vst v63  }
0x56: {  	_ =	swait.ge [sflag:s2], $0x3100  }
0x57: {  	[sflag:s2] =	ssyncset.done $0x0  }
0x58: {  	[sflag:s2] =	ssyncadd.s32 $0xFFFFCF00  }
0x59: {  	[spmem:s18] =	stream.linear.scatter [tilespmem:s1], [sflag:$0x6], $0x3100, $0x38;
	[tilespmem:$0x18200] =	vst v63  }
0x5a: {  	_ =	swait.ge [sflag:s2], $0x3100  }
0x5b: {  	[sflag:s2] =	ssyncset.done $0x0  }
0x5c: {  	[sflag:s2] =	ssyncadd.s32 $0xFFFFCF00  }
0x5d: {  	[bflag:$0x0] =	sbarrier.arrive $0xFFFF  }
0x5e: {  	s16 =	sld [smem:$0x7D7]  }
0x5f: {  	[tilespmem:s4], [sflag:$0x2] =	stream.linear.gather [hbm4b:s20+s4], $0x3E80, $0x38;
	[tilespmem:$0x18200] =	vst v63  }
0x60: {  	s17 =	simm.s32 $0x2  }
0x61: {  	[tilespmem:s21], [sflag:$0x3] =	stream.linear.gather [hbm4b:s16+s4], $0x800, $0x38;
	[tilespmem:$0x18200] =	vst v63  }
0x62: {  	_ =	swait.ge [sflag:s17], $0x3E80  }
0x63: {  	[sflag:s17] =	ssyncset.done $0x0  }
0x64: {  	s18 =	simm.s32 $0x3;
	[sflag:s17] =	ssyncadd.s32 $0xFFFFC180  }
0x65: {  	_ =	swait.ge [sflag:s18], $0x800  }
0x66: {  	s1 =	rddreg [dreg:$0x7]  }
0x67: {  	s7 =	rddreg [dreg:$0x5]  }
0x68: {  	s17 =	sld [smem:$0x7ED]  }
0x69: {  	[sflag:s18] =	ssyncset.done $0x0;
	s8 =	rddreg [dreg:$0x6]  }
0x6a: {  	[sflag:s18] =	ssyncadd.s32 $0xFFFFF800;
	s18 =	sld [smem:$0x7F3]  }
0x6b: {  	s9 =	rddreg [dreg:$0x8]  }
0x6c: {  	s2 =	rddreg [dreg:$0x9]  }
0x6d: {  	[tilespmem:s10], [sflag:$0x4] =	stream.linear.gather [hbm4b:s18+s4], $0x3E80, $0x38;
	[tilespmem:$0x18200] =	vst v63  }
0x6e: {  	s5 =	rddreg [dreg:$0xa]  }
0x6f: {  	[tilespmem:s11], [sflag:$0x5] =	stream.linear.gather [hbm4b:s17+s4], $0x800, $0x38;
	[tilespmem:$0x18200] =	vst v63  }
0x70: {  	s14 =	rddreg [dreg:$0xb]  }
0x71: {  	[spmem:s3] =	stream.indirect.scatter.add.f32 [tilespmem:s4], [sflag:$0x1], $0x8, s21, s26, $0xb8;
	[tilespmem:$0x18200] =	vst v63  }
0x72: {  	s16 =	rddreg [dreg:$0xc]  }
0x73: {  	[spmem:s3] =	stream.indirect.scatter.add.f32 [tilespmem:s8], [sflag:$0x1], $0x8, s7, s26, $0xb8;
	[tilespmem:$0x18200] =	vst v63  }
0x74: {  	s0 =	rddreg [dreg:$0xe]  }
0x75: {  	[spmem:s3] =	stream.indirect.scatter.add.f32 [tilespmem:s9], [sflag:$0x1], $0x8, s1, s26, $0xb8;
	[tilespmem:$0x18200] =	vst v63  }
0x76: {  	s1 =	rddreg [dreg:$0xd]  }
0x77: {  	[spmem:s3] =	stream.indirect.scatter.add.f32 [tilespmem:s5], [sflag:$0x1], $0x8, s2, s26, $0xb8;
	[tilespmem:$0x18200] =	vst v63  }
0x78: {  	s2 =	rddreg [dreg:$0x10]  }
0x79: {  	s5 =	rddreg [dreg:$0xf]  }
0x7a: {  	[spmem:s3] =	stream.indirect.scatter.add.f32 [tilespmem:s16], [sflag:$0x1], $0x8, s14, s26, $0xb8;
	[tilespmem:$0x18200] =	vst v63  }
0x7b: {  	s14 =	rddreg [dreg:$0x12]  }
0x7c: {  	s16 =	rddreg [dreg:$0x11]  }
0x7d: {  	[spmem:s3] =	stream.indirect.scatter.add.f32 [tilespmem:s0], [sflag:$0x1], $0x8, s1, s26, $0xb8;
	[tilespmem:$0x18200] =	vst v63  }
0x7e: {  	s0 =	rddreg [dreg:$0x14]  }
0x7f: {  	s1 =	rddreg [dreg:$0x13]  }
0x80: {  	[spmem:s3] =	stream.indirect.scatter.add.f32 [tilespmem:s2], [sflag:$0x1], $0x8, s5, s26, $0xb8;
	[tilespmem:$0x18200] =	vst v63  }
0x81: {  	s2 =	rddreg [dreg:$0x16]  }
0x82: {  	s5 =	rddreg [dreg:$0x15]  }
0x83: {  	[spmem:s3] =	stream.indirect.scatter.add.f32 [tilespmem:s14], [sflag:$0x1], $0x8, s16, s26, $0xb8;
	[tilespmem:$0x18200] =	vst v63  }
0x84: {  	s14 =	rddreg [dreg:$0x18]  }
0x85: {  	s16 =	rddreg [dreg:$0x17]  }
0x86: {  	[spmem:s3] =	stream.indirect.scatter.add.f32 [tilespmem:s0], [sflag:$0x1], $0x8, s1, s26, $0xb8;
	[tilespmem:$0x18200] =	vst v63  }
0x87: {  	s0 =	rddreg [dreg:$0x1a]  }
0x88: {  	s1 =	rddreg [dreg:$0x19]  }
0x89: {  	[spmem:s3] =	stream.indirect.scatter.add.f32 [tilespmem:s2], [sflag:$0x1], $0x8, s5, s26, $0xb8;
	[tilespmem:$0x18200] =	vst v63  }
0x8a: {  	s2 =	rddreg [dreg:$0x1c]  }
0x8b: {  	s5 =	rddreg [dreg:$0x1b]  }
0x8c: {  	[spmem:s3] =	stream.indirect.scatter.add.f32 [tilespmem:s14], [sflag:$0x1], $0x8, s16, s26, $0xb8;
	[tilespmem:$0x18200] =	vst v63  }
0x8d: {  	s14 =	rddreg [dreg:$0x1e]  }
0x8e: {  	s16 =	rddreg [dreg:$0x1d]  }
0x8f: {  	[spmem:s3] =	stream.indirect.scatter.add.f32 [tilespmem:s0], [sflag:$0x1], $0x8, s1, s26, $0xb8;
	[tilespmem:$0x18200] =	vst v63  }
0x90: {  	s0 =	sld [smem:$0x7D9]  }
0x91: {  	s1 =	rddreg [dreg:$0x1f]  }
0x92: {  	[spmem:s3] =	stream.indirect.scatter.add.f32 [tilespmem:s2], [sflag:$0x1], $0x8, s5, s26, $0xb8;
	[tilespmem:$0x18200] =	vst v63  }
0x93: {  	s2 =	sld [smem:$0x7DB]  }
0x94: {  	[spmem:s3] =	stream.indirect.scatter.add.f32 [tilespmem:s14], [sflag:$0x1], $0x8, s16, s26, $0xb8;
	[tilespmem:$0x18200] =	vst v63  }
0x95: {  	s5 =	sld [smem:$0x7DA]  }
0x96: {  	[spmem:s3] =	stream.indirect.scatter.add.f32 [tilespmem:s0], [sflag:$0x1], $0x8, s1, s26, $0xb8;
	[tilespmem:$0x18200] =	vst v63  }
0x97: {  	_ = 	snop  }
0x98: {  	[spmem:s3] =	stream.indirect.scatter.add.f32 [tilespmem:s2], [sflag:$0x1], $0x8, s5, s26, $0xb8;
	[tilespmem:$0x18200] =	vst v63  }
0x99: {  	_ =	swait.ge [sflag:s28], $0x3E8  }
0x9a: {  	[sflag:s28] =	ssyncset.done $0x0  }
0x9b: {  	[sflag:s28] =	ssyncadd.s32 $0xFFFFFC18  }
0x9c: {  	_ =	swait.ge [sflag:s28], $0x3E8  }
0x9d: {  	[sflag:s28] =	ssyncset.done $0x0  }
0x9e: {  	[sflag:s28] =	ssyncadd.s32 $0xFFFFFC18  }
0x9f: {  	_ =	swait.ge [sflag:s28], $0x3E8  }
0xa0: {  	[sflag:s28] =	ssyncset.done $0x0  }
0xa1: {  	[sflag:s28] =	ssyncadd.s32 $0xFFFFFC18  }
0xa2: {  	_ =	swait.ge [sflag:s28], $0x3E8  }
0xa3: {  	[sflag:s28] =	ssyncset.done $0x0  }
0xa4: {  	[sflag:s28] =	ssyncadd.s32 $0xFFFFFC18  }
0xa5: {  	_ =	swait.ge [sflag:s28], $0x3E8  }
0xa6: {  	[sflag:s28] =	ssyncset.done $0x0  }
0xa7: {  	[sflag:s28] =	ssyncadd.s32 $0xFFFFFC18  }
0xa8: {  	_ =	swait.ge [sflag:s28], $0x3E8  }
0xa9: {  	[sflag:s28] =	ssyncset.done $0x0  }
0xaa: {  	[sflag:s28] =	ssyncadd.s32 $0xFFFFFC18  }
0xab: {  	_ =	swait.ge [sflag:s28], $0x3E8  }
0xac: {  	[sflag:s28] =	ssyncset.done $0x0  }
0xad: {  	[sflag:s28] =	ssyncadd.s32 $0xFFFFFC18  }
0xae: {  	_ =	swait.ge [sflag:s28], $0x3E8  }
0xaf: {  	[sflag:s28] =	ssyncset.done $0x0  }
0xb0: {  	[sflag:s28] =	ssyncadd.s32 $0xFFFFFC18  }
0xb1: {  	_ =	swait.ge [sflag:s28], $0x3E8  }
0xb2: {  	[sflag:s28] =	ssyncset.done $0x0  }
0xb3: {  	[sflag:s28] =	ssyncadd.s32 $0xFFFFFC18  }
0xb4: {  	_ =	swait.ge [sflag:s28], $0x3E8  }
0xb5: {  	[sflag:s28] =	ssyncset.done $0x0  }
0xb6: {  	[sflag:s28] =	ssyncadd.s32 $0xFFFFFC18  }
0xb7: {  	_ =	swait.ge [sflag:s28], $0x3E8  }
0xb8: {  	[sflag:s28] =	ssyncset.done $0x0  }
0xb9: {  	[sflag:s28] =	ssyncadd.s32 $0xFFFFFC18  }
0xba: {  	_ =	swait.ge [sflag:s28], $0x3E8  }
0xbb: {  	[sflag:s28] =	ssyncset.done $0x0  }
0xbc: {  	[sflag:s28] =	ssyncadd.s32 $0xFFFFFC18  }
0xbd: {  	_ =	swait.ge [sflag:s28], $0x3E8  }
0xbe: {  	[sflag:s28] =	ssyncset.done $0x0  }
0xbf: {  	[sflag:s28] =	ssyncadd.s32 $0xFFFFFC18  }
0xc0: {  	_ =	swait.ge [sflag:s28], $0x3E8  }
0xc1: {  	[sflag:s28] =	ssyncset.done $0x0  }
0xc2: {  	[sflag:s28] =	ssyncadd.s32 $0xFFFFFC18  }
0xc3: {  	_ =	swait.ge [sflag:s28], $0x3E8  }
0xc4: {  	[sflag:s28] =	ssyncset.done $0x0  }
0xc5: {  	[sflag:s28] =	ssyncadd.s32 $0xFFFFFC18  }
0xc6: {  	_ =	swait.ge [sflag:s28], $0x3E8  }
0xc7: {  	[sflag:s28] =	ssyncset.done $0x0  }
0xc8: {  	[sflag:s28] =	ssyncadd.s32 $0xFFFFFC18  }
0xc9: {  	_ =	swait.ge [sflag:s29], $0x3E80  }
0xca: {  	[sflag:s29] =	ssyncset.done $0x0  }
0xcb: {  	s9 =	smin.u32 s4, $0x61;
	[sflag:s29] =	ssyncadd.s32 $0xFFFFC180  }
0xcc: {  	s6 =	sadd.s32 $0x2, s9;
	_ =	swait.ge [sflag:s30], $0x800  }
0xcd: {  	s16 =	smul.u32 $0x7D0, s6;
	s14 =	rddreg [dreg:$0x4]  }
0xce: {  	s0 =	sld [smem:$0x7E1]  }
0xcf: {  	s6 =	sshll.u32 s6, $0xB;
	s8 =	sadd.s32 s16, s20;
	s1 =	sld [smem:$0x7DE]  }
0xd0: {  	[sflag:s30] =	ssyncset.done $0x0;
	s2 =	sld [smem:$0x7DD];
	s6 =	sadd.s32 s14, s6  }
0xd1: {  	s5 =	sld [smem:$0x7DF];
	[sflag:s30] =	ssyncadd.s32 $0xFFFFF800;
	s6 =	sshrl.u32 s6, $0x3  }
0xd2: {  	[tilespmem:s4], [sflag:$0x2] =	stream.linear.gather [hbm4b:s8+s4], $0x3E80, $0x38;
	[tilespmem:$0x18200] =	vst v63  }
0xd3: {  	s16 =	sld [smem:$0x7E5];
	s6 =	sadd.s32 s19, s6  }
0xd4: {  	[tilespmem:s21], [sflag:$0x3] =	stream.linear.gather [hbm4b:s6+s4], $0x800, $0x38;
	[tilespmem:$0x18200] =	vst v63  }
0xd5: {  	s14 =	sld [smem:$0x7E6]  }
0xd6: {  	[spmem:s3] =	stream.indirect.scatter.add.f32 [tilespmem:s10], [sflag:$0x1], $0x8, s11, s26, $0xb8;
	[tilespmem:$0x18200] =	vst v63  }
0xd7: {  	s10 =	sld [smem:$0x7E3]  }
0xd8: {  	s11 =	sld [smem:$0x7E2]  }
0xd9: {  	[spmem:s3] =	stream.indirect.scatter.add.f32 [tilespmem:s1], [sflag:$0x1], $0x8, s2, s26, $0xb8;
	[tilespmem:$0x18200] =	vst v63  }
0xda: {  	s1 =	sld [smem:$0x7E7]  }
0xdb: {  	s2 =	sld [smem:$0x7EB]  }
0xdc: {  	[spmem:s3] =	stream.indirect.scatter.add.f32 [tilespmem:s0], [sflag:$0x1], $0x8, s5, s26, $0xb8;
	[tilespmem:$0x18200] =	vst v63  }
0xdd: {  	s0 =	sld [smem:$0x7E9]  }
0xde: {  	s5 =	sld [smem:$0x7EA]  }
0xdf: {  	[spmem:s3] =	stream.indirect.scatter.add.f32 [tilespmem:s10], [sflag:$0x1], $0x8, s11, s26, $0xb8;
	[tilespmem:$0x18200] =	vst v63  }
0xe0: {  	s10 =	sld [smem:$0x7EE]  }
0xe1: {  	s11 =	sld [smem:$0x7EC]  }
0xe2: {  	[spmem:s3] =	stream.indirect.scatter.add.f32 [tilespmem:s14], [sflag:$0x1], $0x8, s16, s26, $0xb8;
	[tilespmem:$0x18200] =	vst v63  }
0xe3: {  	s14 =	sld [smem:$0x7F0]  }
0xe4: {  	s16 =	sld [smem:$0x7EF]  }
0xe5: {  	[spmem:s3] =	stream.indirect.scatter.add.f32 [tilespmem:s0], [sflag:$0x1], $0x8, s1, s26, $0xb8;
	[tilespmem:$0x18200] =	vst v63  }
0xe6: {  	s0 =	sld [smem:$0x7F2]  }
0xe7: {  	s1 =	sld [smem:$0x7F1]  }
0xe8: {  	[spmem:s3] =	stream.indirect.scatter.add.f32 [tilespmem:s2], [sflag:$0x1], $0x8, s5, s26, $0xb8;
	[tilespmem:$0x18200] =	vst v63  }
0xe9: {  	s2 =	sld [smem:$0x7F5]  }
0xea: {  	s5 =	sld [smem:$0x7F4]  }
0xeb: {  	[spmem:s3] =	stream.indirect.scatter.add.f32 [tilespmem:s10], [sflag:$0x1], $0x8, s11, s26, $0xb8;
	[tilespmem:$0x18200] =	vst v63  }
0xec: {  	s10 =	sld [smem:$0x7F7]  }
0xed: {  	[spmem:s3] =	stream.indirect.scatter.add.f32 [tilespmem:s14], [sflag:$0x1], $0x8, s16, s26, $0xb8;
	[tilespmem:$0x18200] =	vst v63  }
0xee: {  	s11 =	sld [smem:$0x7F6]  }
0xef: {  	[spmem:s3] =	stream.indirect.scatter.add.f32 [tilespmem:s0], [sflag:$0x1], $0x8, s1, s26, $0xb8;
	[tilespmem:$0x18200] =	vst v63  }
0xf0: {  	s14 =	sld [smem:$0x7F8]  }
0xf1: {  	[spmem:s3] =	stream.indirect.scatter.add.f32 [tilespmem:s2], [sflag:$0x1], $0x8, s5, s26, $0xb8;
	[tilespmem:$0x18200] =	vst v63  }
0xf2: {  	s16 =	sld [smem:$0x7F9]  }
0xf3: {  	[spmem:s3] =	stream.indirect.scatter.add.f32 [tilespmem:s10], [sflag:$0x1], $0x8, s11, s26, $0xb8;
	[tilespmem:$0x18200] =	vst v63  }
0xf4: {  	_ = 	snop  }
0xf5: {  	[spmem:s3] =	stream.indirect.scatter.add.f32 [tilespmem:s16], [sflag:$0x1], $0x8, s14, s26, $0xb8;
	[tilespmem:$0x18200] =	vst v63  }
0xf6: {  	_ = 	snop  }
0xf7: {  	[spmem:s3] =	stream.indirect.scatter.add.f32 [tilespmem:s13], [sflag:$0x1], $0x8, s12, s26, $0xb8;
	[tilespmem:$0x18200] =	vst v63  }
0xf8: {  	_ = 	snop  }
0xf9: {  	[spmem:s3] =	stream.indirect.scatter.add.f32 [tilespmem:s24], [sflag:$0x1], $0x8, s15, s26, $0xb8;
	[tilespmem:$0x18200] =	vst v63  }
0xfa: {  	_ = 	snop  }
0xfb: {  	[spmem:s3] =	stream.indirect.scatter.add.f32 [tilespmem:s31], [sflag:$0x1], $0x8, s25, s26, $0xb8;
	[tilespmem:$0x18200] =	vst v63  }
0xfc: {  	_ =	swait.ge [sflag:s28], $0x3E8  }
0xfd: {  	[sflag:s28] =	ssyncset.done $0x0  }
0xfe: {  	[sflag:s28] =	ssyncadd.s32 $0xFFFFFC18  }
0xff: {  	_ =	swait.ge [sflag:s28], $0x3E8  }
0x100: {  	[sflag:s28] =	ssyncset.done $0x0  }
0x101: {  	[sflag:s28] =	ssyncadd.s32 $0xFFFFFC18  }
0x102: {  	_ =	swait.ge [sflag:s28], $0x3E8  }
0x103: {  	[sflag:s28] =	ssyncset.done $0x0  }
0x104: {  	[sflag:s28] =	ssyncadd.s32 $0xFFFFFC18  }
0x105: {  	_ =	swait.ge [sflag:s28], $0x3E8  }
0x106: {  	[sflag:s28] =	ssyncset.done $0x0  }
0x107: {  	[sflag:s28] =	ssyncadd.s32 $0xFFFFFC18  }
0x108: {  	_ =	swait.ge [sflag:s28], $0x3E8  }
0x109: {  	[sflag:s28] =	ssyncset.done $0x0  }
0x10a: {  	[sflag:s28] =	ssyncadd.s32 $0xFFFFFC18  }
0x10b: {  	_ =	swait.ge [sflag:s28], $0x3E8  }
0x10c: {  	[sflag:s28] =	ssyncset.done $0x0  }
0x10d: {  	[sflag:s28] =	ssyncadd.s32 $0xFFFFFC18  }
0x10e: {  	_ =	swait.ge [sflag:s28], $0x3E8  }
0x10f: {  	[sflag:s28] =	ssyncset.done $0x0  }
0x110: {  	[sflag:s28] =	ssyncadd.s32 $0xFFFFFC18  }
0x111: {  	_ =	swait.ge [sflag:s28], $0x3E8  }
0x112: {  	[sflag:s28] =	ssyncset.done $0x0  }
0x113: {  	[sflag:s28] =	ssyncadd.s32 $0xFFFFFC18  }
0x114: {  	_ =	swait.ge [sflag:s28], $0x3E8  }
0x115: {  	[sflag:s28] =	ssyncset.done $0x0  }
0x116: {  	s14 =	simm.s32 $0x2;
	[sflag:s28] =	ssyncadd.s32 $0xFFFFFC18  }
.LBB2_2:
0x117: {  	_ =	swait.ge [sflag:s28], $0x3E8  }
0x118: {  	[sflag:s28] =	ssyncset.done $0x0  }
0x119: {  	[sflag:s28] =	ssyncadd.s32 $0xFFFFFC18  }
0x11a: {  	_ =	swait.ge [sflag:s28], $0x3E8  }
0x11b: {  	[sflag:s28] =	ssyncset.done $0x0  }
0x11c: {  	[sflag:s28] =	ssyncadd.s32 $0xFFFFFC18  }
0x11d: {  	_ =	swait.ge [sflag:s28], $0x3E8  }
0x11e: {  	[sflag:s28] =	ssyncset.done $0x0  }
0x11f: {  	[sflag:s28] =	ssyncadd.s32 $0xFFFFFC18  }
0x120: {  	_ =	swait.ge [sflag:s28], $0x3E8  }
0x121: {  	[sflag:s28] =	ssyncset.done $0x0  }
0x122: {  	[sflag:s28] =	ssyncadd.s32 $0xFFFFFC18  }
0x123: {  	_ =	swait.ge [sflag:s28], $0x3E8  }
0x124: {  	[sflag:s28] =	ssyncset.done $0x0  }
0x125: {  	[sflag:s28] =	ssyncadd.s32 $0xFFFFFC18  }
0x126: {  	_ =	swait.ge [sflag:s28], $0x3E8  }
0x127: {  	[sflag:s28] =	ssyncset.done $0x0  }
0x128: {  	[sflag:s28] =	ssyncadd.s32 $0xFFFFFC18  }
0x129: {  	_ =	swait.ge [sflag:s28], $0x3E8  }
0x12a: {  	[sflag:s28] =	ssyncset.done $0x0  }
0x12b: {  	s0 =	simm.s32 $0x2;
	[sflag:s28] =	ssyncadd.s32 $0xFFFFFC18  }
0x12c: {  	_ =	swait.ge [sflag:s0], $0x3E80  }
0x12d: {  	[sflag:s0] =	ssyncset.done $0x0  }
0x12e: {  	s12 =	simm.s32 $0x3;
	[sflag:s0] =	ssyncadd.s32 $0xFFFFC180  }
0x12f: {  	_ =	swait.ge [sflag:s12], $0x800  }
0x130: {  	s15 =	rddreg [dreg:$0xb]  }
0x131: {  	s7 =	sld [smem:$0x7D9]  }
0x132: {  	s16 =	rddreg [dreg:$0x9]  }
0x133: {  	s8 =	rddreg [dreg:$0x1c]  }
0x134: {  	s24 =	smov.u32 s19;
	s19 =	rddreg [dreg:$0x7]  }
0x135: {  	s9 =	rddreg [dreg:$0x18]  }
0x136: {  	s13 =	rddreg [dreg:$0x5]  }
0x137: {  	s25 =	smov.u32 s20;
	s20 =	rddreg [dreg:$0x14]  }
0x138: {  	s31 =	rddreg [dreg:$0xe]  }
0x139: {  	s1 =	rddreg [dreg:$0x10]  }
0x13a: {  	s0 =	rddreg [dreg:$0x6]  }
0x13b: {  	s2 =	rddreg [dreg:$0x8]  }
0x13c: {  	[sflag:s12] =	ssyncset.done $0x0;
	s11 =	rddreg [dreg:$0xa]  }
0x13d: {  	s18 =	sadd.s32 $0xFA0, s18;
	s5 =	rddreg [dreg:$0xd];
	[sflag:s12] =	ssyncadd.s32 $0xFFFFF800  }
0x13e: {  	[tilespmem:s22], [sflag:$0x4] =	stream.linear.gather [hbm4b:s18+s4], $0x3E80, $0x38;
	[tilespmem:$0x18200] =	vst v63  }
0x13f: {  	s17 =	sadd.s32 $0x200, s17;
	s10 =	rddreg [dreg:$0xf]  }
0x140: {  	[tilespmem:s23], [sflag:$0x5] =	stream.linear.gather [hbm4b:s17+s4], $0x800, $0x38;
	[tilespmem:$0x18200] =	vst v63  }
0x141: {  	s12 =	rddreg [dreg:$0xc]  }
0x142: {  	[spmem:s3] =	stream.indirect.scatter.add.f32 [tilespmem:s4], [sflag:$0x1], $0x8, s21, s26, $0xb8;
	[tilespmem:$0x18200] =	vst v63  }
0x143: {  	s21 =	rddreg [dreg:$0x12]  }
0x144: {  	[spmem:s3] =	stream.indirect.scatter.add.f32 [tilespmem:s0], [sflag:$0x1], $0x8, s13, s26, $0xb8;
	[tilespmem:$0x18200] =	vst v63  }
0x145: {  	s13 =	rddreg [dreg:$0x11]  }
0x146: {  	[spmem:s3] =	stream.indirect.scatter.add.f32 [tilespmem:s2], [sflag:$0x1], $0x8, s19, s26, $0xb8;
	[tilespmem:$0x18200] =	vst v63  }
0x147: {  	s2 =	rddreg [dreg:$0x13]  }
0x148: {  	[spmem:s3] =	stream.indirect.scatter.add.f32 [tilespmem:s11], [sflag:$0x1], $0x8, s16, s26, $0xb8;
	[tilespmem:$0x18200] =	vst v63  }
0x149: {  	s11 =	rddreg [dreg:$0x16]  }
0x14a: {  	[spmem:s3] =	stream.indirect.scatter.add.f32 [tilespmem:s12], [sflag:$0x1], $0x8, s15, s26, $0xb8;
	[tilespmem:$0x18200] =	vst v63  }
0x14b: {  	s16 =	rddreg [dreg:$0x15]  }
0x14c: {  	[spmem:s3] =	stream.indirect.scatter.add.f32 [tilespmem:s31], [sflag:$0x1], $0x8, s5, s26, $0xb8;
	[tilespmem:$0x18200] =	vst v63  }
0x14d: {  	s15 =	rddreg [dreg:$0x1b]  }
0x14e: {  	[spmem:s3] =	stream.indirect.scatter.add.f32 [tilespmem:s1], [sflag:$0x1], $0x8, s10, s26, $0xb8;
	[tilespmem:$0x18200] =	vst v63  }
0x14f: {  	s12 =	sld [smem:$0x7DB]  }
0x150: {  	[spmem:s3] =	stream.indirect.scatter.add.f32 [tilespmem:s21], [sflag:$0x1], $0x8, s13, s26, $0xb8;
	[tilespmem:$0x18200] =	vst v63  }
0x151: {  	s5 =	rddreg [dreg:$0x17]  }
0x152: {  	[spmem:s3] =	stream.indirect.scatter.add.f32 [tilespmem:s20], [sflag:$0x1], $0x8, s2, s26, $0xb8;
	[tilespmem:$0x18200] =	vst v63  }
0x153: {  	s10 =	rddreg [dreg:$0x1a]  }
0x154: {  	[spmem:s3] =	stream.indirect.scatter.add.f32 [tilespmem:s11], [sflag:$0x1], $0x8, s16, s26, $0xb8;
	[tilespmem:$0x18200] =	vst v63  }
0x155: {  	s13 =	rddreg [dreg:$0x19]  }
0x156: {  	[spmem:s3] =	stream.indirect.scatter.add.f32 [tilespmem:s9], [sflag:$0x1], $0x8, s5, s26, $0xb8;
	[tilespmem:$0x18200] =	vst v63  }
0x157: {  	s16 =	rddreg [dreg:$0x1e]  }
0x158: {  	[spmem:s3] =	stream.indirect.scatter.add.f32 [tilespmem:s10], [sflag:$0x1], $0x8, s13, s26, $0xb8;
	[tilespmem:$0x18200] =	vst v63  }
0x159: {  	s11 =	rddreg [dreg:$0x1f]  }
0x15a: {  	[spmem:s3] =	stream.indirect.scatter.add.f32 [tilespmem:s8], [sflag:$0x1], $0x8, s15, s26, $0xb8;
	[tilespmem:$0x18200] =	vst v63  }
0x15b: {  	s9 =	rddreg [dreg:$0x1d]  }
0x15c: {  	[spmem:s3] =	stream.indirect.scatter.add.f32 [tilespmem:s16], [sflag:$0x1], $0x8, s9, s26, $0xb8;
	[tilespmem:$0x18200] =	vst v63  }
0x15d: {  	s13 =	sld [smem:$0x7DA]  }
0x15e: {  	[spmem:s3] =	stream.indirect.scatter.add.f32 [tilespmem:s7], [sflag:$0x1], $0x8, s11, s26, $0xb8;
	[tilespmem:$0x18200] =	vst v63  }
0x15f: {  	_ = 	snop  }
0x160: {  	[spmem:s3] =	stream.indirect.scatter.add.f32 [tilespmem:s12], [sflag:$0x1], $0x8, s13, s26, $0xb8;
	[tilespmem:$0x18200] =	vst v63  }
0x161: {  	_ =	swait.ge [sflag:s28], $0x3E8  }
0x162: {  	[sflag:s28] =	ssyncset.done $0x0  }
0x163: {  	[sflag:s28] =	ssyncadd.s32 $0xFFFFFC18  }
0x164: {  	_ =	swait.ge [sflag:s28], $0x3E8  }
0x165: {  	[sflag:s28] =	ssyncset.done $0x0  }
0x166: {  	[sflag:s28] =	ssyncadd.s32 $0xFFFFFC18  }
0x167: {  	_ =	swait.ge [sflag:s28], $0x3E8  }
0x168: {  	[sflag:s28] =	ssyncset.done $0x0  }
0x169: {  	[sflag:s28] =	ssyncadd.s32 $0xFFFFFC18  }
0x16a: {  	_ =	swait.ge [sflag:s28], $0x3E8  }
0x16b: {  	[sflag:s28] =	ssyncset.done $0x0  }
0x16c: {  	[sflag:s28] =	ssyncadd.s32 $0xFFFFFC18  }
0x16d: {  	_ =	swait.ge [sflag:s28], $0x3E8  }
0x16e: {  	[sflag:s28] =	ssyncset.done $0x0  }
0x16f: {  	[sflag:s28] =	ssyncadd.s32 $0xFFFFFC18  }
0x170: {  	_ =	swait.ge [sflag:s28], $0x3E8  }
0x171: {  	[sflag:s28] =	ssyncset.done $0x0  }
0x172: {  	[sflag:s28] =	ssyncadd.s32 $0xFFFFFC18  }
0x173: {  	_ =	swait.ge [sflag:s28], $0x3E8  }
0x174: {  	[sflag:s28] =	ssyncset.done $0x0  }
0x175: {  	[sflag:s28] =	ssyncadd.s32 $0xFFFFFC18  }
0x176: {  	_ =	swait.ge [sflag:s28], $0x3E8  }
0x177: {  	[sflag:s28] =	ssyncset.done $0x0  }
0x178: {  	[sflag:s28] =	ssyncadd.s32 $0xFFFFFC18  }
0x179: {  	_ =	swait.ge [sflag:s28], $0x3E8  }
0x17a: {  	[sflag:s28] =	ssyncset.done $0x0  }
0x17b: {  	[sflag:s28] =	ssyncadd.s32 $0xFFFFFC18  }
0x17c: {  	_ =	swait.ge [sflag:s28], $0x3E8  }
0x17d: {  	[sflag:s28] =	ssyncset.done $0x0  }
0x17e: {  	[sflag:s28] =	ssyncadd.s32 $0xFFFFFC18  }
0x17f: {  	_ =	swait.ge [sflag:s28], $0x3E8  }
0x180: {  	[sflag:s28] =	ssyncset.done $0x0  }
0x181: {  	[sflag:s28] =	ssyncadd.s32 $0xFFFFFC18  }
0x182: {  	_ =	swait.ge [sflag:s28], $0x3E8  }
0x183: {  	[sflag:s28] =	ssyncset.done $0x0  }
0x184: {  	[sflag:s28] =	ssyncadd.s32 $0xFFFFFC18  }
0x185: {  	_ =	swait.ge [sflag:s28], $0x3E8  }
0x186: {  	[sflag:s28] =	ssyncset.done $0x0  }
0x187: {  	[sflag:s28] =	ssyncadd.s32 $0xFFFFFC18  }
0x188: {  	_ =	swait.ge [sflag:s28], $0x3E8  }
0x189: {  	[sflag:s28] =	ssyncset.done $0x0  }
0x18a: {  	[sflag:s28] =	ssyncadd.s32 $0xFFFFFC18  }
0x18b: {  	_ =	swait.ge [sflag:s28], $0x3E8  }
0x18c: {  	[sflag:s28] =	ssyncset.done $0x0  }
0x18d: {  	[sflag:s28] =	ssyncadd.s32 $0xFFFFFC18  }
0x18e: {  	_ =	swait.ge [sflag:s28], $0x3E8  }
0x18f: {  	[sflag:s28] =	ssyncset.done $0x0  }
0x190: {  	[sflag:s28] =	ssyncadd.s32 $0xFFFFFC18  }
0x191: {  	_ =	swait.ge [sflag:s29], $0x3E80  }
0x192: {  	[sflag:s29] =	ssyncset.done $0x0  }
0x193: {  	[sflag:s29] =	ssyncadd.s32 $0xFFFFC180  }
0x194: {  	_ =	swait.ge [sflag:s30], $0x800  }
0x195: {  	s7 =	sld [smem:$0x7F7]  }
0x196: {  	s0 =	sld [smem:$0x7E3]  }
0x197: {  	s1 =	sld [smem:$0x7E1]  }
0x198: {  	s2 =	sld [smem:$0x7E6]  }
0x199: {  	s6 =	smov.u32 s14;
	s5 =	sld [smem:$0x7DE]  }
0x19a: {  	s6 =	smin.u32 s6, $0x61;
	s8 =	sld [smem:$0x7E9]  }
0x19b: {  	s6 =	sadd.s32 $0x2, s6;
	s15 =	rddreg [dreg:$0x4]  }
0x19c: {  	s16 =	smul.u32 $0x7D0, s6;
	s10 =	sld [smem:$0x7DD]  }
0x19d: {  	s19 =	smov.u32 s24;
	s20 =	smov.u32 s25;
	s12 =	sld [smem:$0x7F5]  }
0x19e: {  	s6 =	sshll.u32 s6, $0xB;
	s11 =	sadd.s32 s16, s20;
	s9 =	sld [smem:$0x7DF]  }
0x19f: {  	[sflag:s30] =	ssyncset.done $0x0;
	s13 =	sld [smem:$0x7F2];
	s6 =	sadd.s32 s15, s6  }
0x1a0: {  	s16 =	sld [smem:$0x7F0];
	[sflag:s30] =	ssyncadd.s32 $0xFFFFF800;
	s6 =	sshrl.u32 s6, $0x3  }
0x1a1: {  	[tilespmem:s4], [sflag:$0x2] =	stream.linear.gather [hbm4b:s11+s4], $0x3E80, $0x38;
	[tilespmem:$0x18200] =	vst v63  }
0x1a2: {  	s21 =	simm.s32 $0x3E80;
	s15 =	sld [smem:$0x7E2];
	s6 =	sadd.s32 s19, s6  }
0x1a3: {  	[tilespmem:s21], [sflag:$0x3] =	stream.linear.gather [hbm4b:s6+s4], $0x800, $0x38;
	[tilespmem:$0x18200] =	vst v63  }
0x1a4: {  	s11 =	sld [smem:$0x7E5]  }
0x1a5: {  	[spmem:s3] =	stream.indirect.scatter.add.f32 [tilespmem:s22], [sflag:$0x1], $0x8, s23, s26, $0xb8;
	[tilespmem:$0x18200] =	vst v63  }
0x1a6: {  	s6 =	sld [smem:$0x7E7]  }
0x1a7: {  	[spmem:s3] =	stream.indirect.scatter.add.f32 [tilespmem:s5], [sflag:$0x1], $0x8, s10, s26, $0xb8;
	[tilespmem:$0x18200] =	vst v63  }
0x1a8: {  	s5 =	sld [smem:$0x7EE]  }
0x1a9: {  	[spmem:s3] =	stream.indirect.scatter.add.f32 [tilespmem:s1], [sflag:$0x1], $0x8, s9, s26, $0xb8;
	[tilespmem:$0x18200] =	vst v63  }
0x1aa: {  	s10 =	sld [smem:$0x7EC]  }
0x1ab: {  	[spmem:s3] =	stream.indirect.scatter.add.f32 [tilespmem:s0], [sflag:$0x1], $0x8, s15, s26, $0xb8;
	[tilespmem:$0x18200] =	vst v63  }
0x1ac: {  	s1 =	sld [smem:$0x7EB]  }
0x1ad: {  	[spmem:s3] =	stream.indirect.scatter.add.f32 [tilespmem:s2], [sflag:$0x1], $0x8, s11, s26, $0xb8;
	[tilespmem:$0x18200] =	vst v63  }
0x1ae: {  	s9 =	sld [smem:$0x7EA]  }
0x1af: {  	[spmem:s3] =	stream.indirect.scatter.add.f32 [tilespmem:s8], [sflag:$0x1], $0x8, s6, s26, $0xb8;
	[tilespmem:$0x18200] =	vst v63  }
0x1b0: {  	s11 =	sld [smem:$0x7EF]  }
0x1b1: {  	[spmem:s3] =	stream.indirect.scatter.add.f32 [tilespmem:s1], [sflag:$0x1], $0x8, s9, s26, $0xb8;
	[tilespmem:$0x18200] =	vst v63  }
0x1b2: {  	s8 =	sld [smem:$0x7F1]  }
0x1b3: {  	[spmem:s3] =	stream.indirect.scatter.add.f32 [tilespmem:s5], [sflag:$0x1], $0x8, s10, s26, $0xb8;
	[tilespmem:$0x18200] =	vst v63  }
0x1b4: {  	s9 =	sld [smem:$0x7F4]  }
0x1b5: {  	[spmem:s3] =	stream.indirect.scatter.add.f32 [tilespmem:s16], [sflag:$0x1], $0x8, s11, s26, $0xb8;
	[tilespmem:$0x18200] =	vst v63  }
0x1b6: {  	s10 =	sld [smem:$0x7F6]  }
0x1b7: {  	[spmem:s3] =	stream.indirect.scatter.add.f32 [tilespmem:s13], [sflag:$0x1], $0x8, s8, s26, $0xb8;
	[tilespmem:$0x18200] =	vst v63  }
0x1b8: {  	s11 =	sld [smem:$0x7F8]  }
0x1b9: {  	[spmem:s3] =	stream.indirect.scatter.add.f32 [tilespmem:s12], [sflag:$0x1], $0x8, s9, s26, $0xb8;
	[tilespmem:$0x18200] =	vst v63  }
0x1ba: {  	s16 =	sld [smem:$0x7F9]  }
0x1bb: {  	[spmem:s3] =	stream.indirect.scatter.add.f32 [tilespmem:s7], [sflag:$0x1], $0x8, s10, s26, $0xb8;
	[tilespmem:$0x18200] =	vst v63  }
0x1bc: {  	_ = 	snop  }
0x1bd: {  	[spmem:s3] =	stream.indirect.scatter.add.f32 [tilespmem:s16], [sflag:$0x1], $0x8, s11, s26, $0xb8;
	[tilespmem:$0x18200] =	vst v63  }
0x1be: {  	s13 =	simm.s32 $0x7948;
	s12 =	simm.s32 $0x8B80  }
0x1bf: {  	[spmem:s3] =	stream.indirect.scatter.add.f32 [tilespmem:s13], [sflag:$0x1], $0x8, s12, s26, $0xb8;
	[tilespmem:$0x18200] =	vst v63  }
0x1c0: {  	s24 =	simm.s32 $0x7D30;
	s15 =	simm.s32 $0x8C00  }
0x1c1: {  	[spmem:s3] =	stream.indirect.scatter.add.f32 [tilespmem:s24], [sflag:$0x1], $0x8, s15, s26, $0xb8;
	[tilespmem:$0x18200] =	vst v63  }
0x1c2: {  	s31 =	simm.s32 $0x8118;
	s25 =	simm.s32 $0x8C80  }
0x1c3: {  	[spmem:s3] =	stream.indirect.scatter.add.f32 [tilespmem:s31], [sflag:$0x1], $0x8, s25, s26, $0xb8;
	[tilespmem:$0x18200] =	vst v63  }
0x1c4: {  	_ =	swait.ge [sflag:s28], $0x3E8  }
0x1c5: {  	[sflag:s28] =	ssyncset.done $0x0  }
0x1c6: {  	[sflag:s28] =	ssyncadd.s32 $0xFFFFFC18  }
0x1c7: {  	_ =	swait.ge [sflag:s28], $0x3E8  }
0x1c8: {  	[sflag:s28] =	ssyncset.done $0x0  }
0x1c9: {  	[sflag:s28] =	ssyncadd.s32 $0xFFFFFC18  }
0x1ca: {  	_ =	swait.ge [sflag:s28], $0x3E8  }
0x1cb: {  	[sflag:s28] =	ssyncset.done $0x0  }
0x1cc: {  	[sflag:s28] =	ssyncadd.s32 $0xFFFFFC18  }
0x1cd: {  	_ =	swait.ge [sflag:s28], $0x3E8  }
0x1ce: {  	[sflag:s28] =	ssyncset.done $0x0  }
0x1cf: {  	[sflag:s28] =	ssyncadd.s32 $0xFFFFFC18  }
0x1d0: {  	_ =	swait.ge [sflag:s28], $0x3E8  }
0x1d1: {  	[sflag:s28] =	ssyncset.done $0x0  }
0x1d2: {  	[sflag:s28] =	ssyncadd.s32 $0xFFFFFC18  }
0x1d3: {  	_ =	swait.ge [sflag:s28], $0x3E8  }
0x1d4: {  	[sflag:s28] =	ssyncset.done $0x0  }
0x1d5: {  	[sflag:s28] =	ssyncadd.s32 $0xFFFFFC18  }
0x1d6: {  	_ =	swait.ge [sflag:s28], $0x3E8  }
0x1d7: {  	[sflag:s28] =	ssyncset.done $0x0  }
0x1d8: {  	[sflag:s28] =	ssyncadd.s32 $0xFFFFFC18  }
0x1d9: {  	p0 =	sne.s32 s14, $0x62;
	_ =	swait.ge [sflag:s28], $0x3E8  }
.Ltmp0:
0x1da: {  	[sflag:s28] =	ssyncset.done $0x0;
	(pc) =	sbr.rel @p0 .LBB2_2-.Ltmp0, $4  }
0x1db: {  	[sflag:s28] =	ssyncadd.s32 $0xFFFFFC18  }
0x1dc: {  	_ =	swait.ge [sflag:s28], $0x3E8  }
0x1dd: {  	[sflag:s28] =	ssyncset.done $0x0  }
0x1de: {  	s14 =	sadd.s32 $0x2, s14;
	[sflag:s28] =	ssyncadd.s32 $0xFFFFFC18  }
0x1df: {  	_ =	swait.ge [sflag:s28], $0x3E8  }
0x1e0: {  	[sflag:s28] =	ssyncset.done $0x0  }
0x1e1: {  	[sflag:s28] =	ssyncadd.s32 $0xFFFFFC18  }
0x1e2: {  	_ =	swait.ge [sflag:s28], $0x3E8  }
0x1e3: {  	[sflag:s28] =	ssyncset.done $0x0  }
0x1e4: {  	[sflag:s28] =	ssyncadd.s32 $0xFFFFFC18  }
0x1e5: {  	_ =	swait.ge [sflag:s28], $0x3E8  }
0x1e6: {  	[sflag:s28] =	ssyncset.done $0x0  }
0x1e7: {  	[sflag:s28] =	ssyncadd.s32 $0xFFFFFC18  }
0x1e8: {  	_ =	swait.ge [sflag:s28], $0x3E8  }
0x1e9: {  	[sflag:s28] =	ssyncset.done $0x0  }
0x1ea: {  	[sflag:s28] =	ssyncadd.s32 $0xFFFFFC18  }
0x1eb: {  	_ =	swait.ge [sflag:s28], $0x3E8  }
0x1ec: {  	[sflag:s28] =	ssyncset.done $0x0  }
0x1ed: {  	[sflag:s28] =	ssyncadd.s32 $0xFFFFFC18  }
0x1ee: {  	_ =	swait.ge [sflag:s28], $0x3E8  }
0x1ef: {  	[sflag:s28] =	ssyncset.done $0x0  }
0x1f0: {  	[sflag:s28] =	ssyncadd.s32 $0xFFFFFC18  }
0x1f1: {  	_ =	swait.ge [sflag:s28], $0x3E8  }
0x1f2: {  	[sflag:s28] =	ssyncset.done $0x0  }
0x1f3: {  	s0 =	simm.s32 $0x2;
	[sflag:s28] =	ssyncadd.s32 $0xFFFFFC18  }
0x1f4: {  	_ =	swait.ge [sflag:s0], $0x3E80  }
0x1f5: {  	[sflag:s0] =	ssyncset.done $0x0  }
0x1f6: {  	s7 =	simm.s32 $0x3;
	[sflag:s0] =	ssyncadd.s32 $0xFFFFC180  }
0x1f7: {  	_ =	swait.ge [sflag:s7], $0x800  }
0x1f8: {  	[sflag:s7] =	ssyncset.done $0x0  }
0x1f9: {  	[sflag:s7] =	ssyncadd.s32 $0xFFFFF800  }
0x1fa: {  	[bflag:$0x0] =	sbarrier.arrive $0xFFFF  }
0x1fb: {  	s5 =	sld [smem:$0x7FA];
	_ =	sdelay $0x1  }
0x1fc: {  	s1 =	simm.s32 $0x8D00;
	s2 =	simm.s32 $0x6  }
0x1fd: {  	[tilespmem:s1], [sflag:$0x6] =	stream.linear.gather [spmem:s5], $0x3100, $0x38;
	[tilespmem:$0x18200] =	vst v63  }
0x1fe: {  	_ =	swait.ge [sflag:s2], $0x3100  }
0x1ff: {  	s8 =	sld [smem:$0x7D8]  }
0x200: {  	[sflag:s2] =	ssyncset.done $0x0  }
0x201: {  	[sflag:s2] =	ssyncadd.s32 $0xFFFFCF00  }
0x202: {  	[hbm4b:s8+s4] =	stream.linear.scatter [tilespmem:s1], [sflag:$0x6], $0x3100, $0x38;
	[tilespmem:$0x18200] =	vst v63  }
0x203: {  	_ =	swait.ge [sflag:s2], $0x3100  }
0x204: {  	s16 =	sld [smem:$0x7FB]  }
0x205: {  	[sflag:s2] =	ssyncset.done $0x0  }
0x206: {  	[sflag:s2] =	ssyncadd.s32 $0xFFFFCF00  }
0x207: {  	[tilespmem:s1], [sflag:$0x6] =	stream.linear.gather [spmem:s16], $0x3100, $0x38;
	[tilespmem:$0x18200] =	vst v63  }
0x208: {  	_ =	swait.ge [sflag:s2], $0x3100  }
0x209: {  	s9 =	sld [smem:$0x7DC]  }
0x20a: {  	[sflag:s2] =	ssyncset.done $0x0  }
0x20b: {  	[sflag:s2] =	ssyncadd.s32 $0xFFFFCF00  }
0x20c: {  	[hbm4b:s9+s4] =	stream.linear.scatter [tilespmem:s1], [sflag:$0x6], $0x3100, $0x38;
	[tilespmem:$0x18200] =	vst v63  }
0x20d: {  	_ =	swait.ge [sflag:s2], $0x3100  }
0x20e: {  	s17 =	sld [smem:$0x7FC]  }
0x20f: {  	[sflag:s2] =	ssyncset.done $0x0  }
0x210: {  	[sflag:s2] =	ssyncadd.s32 $0xFFFFCF00  }
0x211: {  	[tilespmem:s1], [sflag:$0x6] =	stream.linear.gather [spmem:s17], $0x3100, $0x38;
	[tilespmem:$0x18200] =	vst v63  }
0x212: {  	_ =	swait.ge [sflag:s2], $0x3100  }
0x213: {  	s10 =	sld [smem:$0x7E0]  }
0x214: {  	[sflag:s2] =	ssyncset.done $0x0  }
0x215: {  	[sflag:s2] =	ssyncadd.s32 $0xFFFFCF00  }
0x216: {  	[hbm4b:s10+s4] =	stream.linear.scatter [tilespmem:s1], [sflag:$0x6], $0x3100, $0x38;
	[tilespmem:$0x18200] =	vst v63  }
0x217: {  	_ =	swait.ge [sflag:s2], $0x3100  }
0x218: {  	s18 =	sld [smem:$0x7FD]  }
0x219: {  	[sflag:s2] =	ssyncset.done $0x0  }
0x21a: {  	[sflag:s2] =	ssyncadd.s32 $0xFFFFCF00  }
0x21b: {  	[tilespmem:s1], [sflag:$0x6] =	stream.linear.gather [spmem:s18], $0x3100, $0x38;
	[tilespmem:$0x18200] =	vst v63  }
0x21c: {  	_ =	swait.ge [sflag:s2], $0x3100  }
0x21d: {  	s11 =	sld [smem:$0x7E4]  }
0x21e: {  	[sflag:s2] =	ssyncset.done $0x0  }
0x21f: {  	[sflag:s2] =	ssyncadd.s32 $0xFFFFCF00  }
0x220: {  	[hbm4b:s11+s4] =	stream.linear.scatter [tilespmem:s1], [sflag:$0x6], $0x3100, $0x38;
	[tilespmem:$0x18200] =	vst v63  }
0x221: {  	_ =	swait.ge [sflag:s2], $0x3100  }
0x222: {  	s6 =	sld [smem:$0x7D6]  }
0x223: {  	s14 =	sld [smem:$0x7E8];
	_ =	sdelay $0x1  }
0x224: {  	s6 =	sadd.s32 $0x1, s6  }
0x225: {  	p0 =	sne.s32 s6, s14  }
.Ltmp1:
0x226: {  	_ = 	snop;
	(pc) =	sbr.rel @p0 .LBB2_1-.Ltmp1, $3  }
0x227: {  	_ =	sdelay $0x1  }
0x228: {  	[sflag:s2] =	ssyncset.done $0x0  }
0x229: {  	s10 =	simm.s32 $0x4680;
	s11 =	simm.s32 $0x8500;
	[sflag:s2] =	ssyncadd.s32 $0xFFFFCF00  }
0x22a: {  	_ =	sfence.sel $0x180000  }
0x22b: {  	[bflag:$0x0] =	sbarrier.arrive $0xFFFF  }
0x22c: {  	_ =	strace $0x9000004A  }
0x22d: {  	s0 =	stileid.u32;
	[bflag:$0x2] =	sbarrier.arrive $0xFFFF  }
0x22e: {  	p0 =	sne.s32 s0, $0x0;
	s0 =	rddreg [dreg:$0x3]  }
0x22f: {  	s0 =	sadd.s32 @!p0 $0x100000, s0  }
0x230: {  	[sflag:s0] =	ssyncadd.tile.s32 @!p0 $0x1;
	_ =	shalt  }
.Lfunc_end2:
_tile_overlayer_lowered:
.L_overlay_start_2:
0x231: {  	(tag) =	ssettag $0x2  }
0x232: {  	s0 =	rddreg [dreg:$0x0];
	s2 =	stileid.u32  }
0x233: {  	s1 =	rddreg [dreg:$0x1];
	p0 =	sne.s32 s2, $0x0  }
0x234: {  	s3 =	rddreg [dreg:$0x2];
	[bflag:$0x3] =	sbarrier.arrive $0xFFFF;
	s2 =	simm.s32 @!p0 $0x1C06  }
0x235: {  	[timem:s3], [sflag:s2] =	dma.local @!p0 [hbm:s0], s1  }
0x236: {  	s0 =	simm.s32 @!p0 $0x6  }
0x237: {  	_ =	swait.ge @!p0 [sflag:s0], s1  }
0x238: {  	s1 =	ssub.s32 @!p0 $0x0, s1;
	[sflag:s0] =	ssyncset.done @!p0 $0x0  }
0x239: {  	[sflag:s0] =	ssyncadd.s32 @!p0 s1  }
0x23a: {  	[bflag:$0x3] =	sbarrier.arrive $0xFFFF  }
0x23b: {  	_ =	shalt  }

// kernel: sparse-core-data-format-call.cloned.1.call-start
scs
called_computation_lowered:
.L_overlay_start_0:
0x0: {  	s1 =	sld [smem:$0x3FD9]  }
0x1: {  	s2 =	sld [smem:$0x3FFE];
	_ =	sdelay $0x1  }
0x2: {  	s3 =	srdreg.scid  }
0x3: {  	s0 =	sand.u32 $0x1, s3  }
0x4: {  	s17 =	sshll.u32 s0, $0xA;
	s1 =	sadd.s32 s2, s1  }
0x5: {  	s1 =	sadd.s32 s1, s17  }
0x6: {  	[smem:$0x3FC2] =	sst s1  }
0x7: {  	_ = 	snop  }
0x8: {  	(tm) =	ssettm $0x1  }
0x9: {  	s18 =	sld [smem:$0x3FFB];
	_ =	sdelay $0x3  }
0xa: {  	_ =	strace s18  }
0xb: {  	s1 =	sld [smem:$0x3FFC];
	_ =	sdelay $0x3  }
0xc: {  	_ =	strace s1  }
0xd: {  	s1 =	sld [smem:$0x3FFD];
	_ =	sdelay $0x3  }
0xe: {  	_ =	strace s1  }
0xf: {  	_ =	strace $0x8FFFFFFF  }
0x10: {  	s19 =	sld [smem:$0x3FDB];
	_ =	sdelay $0x1  }
0x11: {  	s20 =	simm.s32 $_scs_section_size  }
0x12: {  	s4 =	simm.s32 $_size__tile_overlayer_lowered;
	s5 =	simm.s32 $_tile_overlayer_lowered  }
0x13: {  	s23 =	simm.s32 $0x1BFF;
	s22 =	sshll.u32 s5, $0x1;
	s1 =	sadd.s32 s20, s19  }
0x14: {  	s6 =	simm.s32 $0x0;
	s21 =	sshll.u32 s4, $0x1;
	s4 =	sadd.s32 s22, s1  }
0x15: {  	[timem:s6], [sflag:s23] =	dma.local [hbm:s4], s21  }
0x16: {  	_ =	swait.ge [sflag:s23], s21  }
0x17: {  	s2 =	ssub.s32 $0x0, s21;
	[sflag:s23] =	ssyncset.done $0x0  }
0x18: {  	[sflag:s23] =	ssyncadd.s32 s2;
	_ =	sdelay $0x1  }
0x19: {  	s24 =	simm.s32 $0x1B8B  }
0x1a: {  	_ =	swait.ge [sflag:s24], $0x1  }
0x1b: {  	[sflag:s24] =	ssyncset.done $0x0  }
0x1c: {  	s26 =	simm.s32 $0x1B8E;
	s25 =	sld [smem:$0x3FFE];
	[sflag:s24] =	ssyncadd.s32 $0xFFFFFFFF  }
0x1d: {  	s27 =	simm.s32 $execute0_lowered;
	[smem:$0x3FD2] =	sst s26  }
0x1e: {  	s4 =	sshll.u32 s27, $0x1;
	_ =	strace $0x80000046;
	[dreg:$0x1] =	wrdreg $0xFFFFFFFF  }
0x1f: {  	s28 =	simm.s32 $_size_execute0_lowered;
	s1 =	sadd.s32 s1, s4;
	[dreg:$0x0] =	wrdreg $0x0  }
0x20: {  	s4 =	sshll.u32 s28, $0x1;
	[dreg:$0x2] =	wrdreg s1  }
0x21: {  	[dreg:$0x3] =	wrdreg s4  }
0x22: {  	[dreg:$0x4] =	wrdreg $0xC0  }
0x23: {  	_ =	task [dreg:s6], $0x5FFFF  }
0x24: {  	[dreg:$0x1] =	wrdreg $0xFFFFFFFF  }
0x25: {  	[dreg:$0x0] =	wrdreg $0x60  }
0x26: {  	[dreg:$0x2] =	wrdreg s25  }
0x27: {  	[dreg:$0x3] =	wrdreg $0x9  }
0x28: {  	_ =	task.clear_ibuf [dreg:s6], $0x4FFFF;
	_ =	strace $0x90000046  }
0x29: {  	s29 =	simm.s32 $0x9;
	_ =	strace $0x80000048  }
0x2a: {  	_ =	swait.ge [sflag:s29], $0x1  }
0x2b: {  	[sflag:s29] =	ssyncadd.s32 $0xFFFFFFFF  }
0x2c: {  	_ =	strace $0x90000048  }
0x2d: {  	_ =	sfence  }
0x2e: {  	s30 =	sld [smem:$0x0];
	_ =	sdelay $0x2  }
0x2f: {  	s31 =	sshll.u32 s3, $0xD;
	s3 =	sshrl.u32 s3, $0x2  }
0x30: {  	s2 =	sand.u32 $0x4000, s31;
	s1 =	sadd.s32 s3, s30  }
0x31: {  	s0 =	sor.u32 s2, s0;
	s1 =	sshll.u32 s1, $0x11  }
0x32: {  	s0 =	sor.u32 s1, s0  }
0x33: {  	s0 =	sadd.s32 $0x8F2B, s0  }
0x34: {  	[sflag:s0] =	ssyncadd.remote.s32 $0x1  }
0x35: {  	_ =	sfence.sel $0xFFFF  }
0x36: {  	[dreg:$0x0] =	wrdreg $0xFFFFFFFF;
	(pc) =	sbr.abs _section_cstart, $3  }
0x37: {  	[dreg:$0x1] =	wrdreg $0xFFFFFFFF  }
0x38: {  	_ =	task.clear_ibuf [dreg:s6], $0x2FFFF;
	_ =	strace $0x9FFFFFFF  }
0x39: {  	(tm) =	ssettm $0x7FFFFFFF  }
tec
execute0_lowered:
.L_overlay_start_1:
0x0: {  	(tag) =	ssettag $0x1  }
0x1: {  	s0 =	srdreg.scid  }
0x2: {  	s6 =	rddreg [dreg:$0x0];
	s7 =	simm.s32 $0x1;
	s1 =	sshll.u32 s0, $0x4  }
0x3: {  	s8 =	simm.s32 $0x2;
	s0 =	stileid.u32;
	s1 =	sand.u32 $0x10, s1  }
0x4: {  	s13 =	simm.s32 $0x0;
	s12 =	simm.s32 $0x0;
	s1 =	sor.u32 s0, s1  }
0x5: {  	s10 =	simm.s32 $0x0;
	s3 =	sadd.s32 $0x1200, s6;
	s2 =	sshll.u32 s1, $0xB  }
0x6: {  	s11 =	simm.s32 $0x0;
	s6 =	sadd.s32 $0x61BA00, s6;
	s5 =	ssub.s32 $0x61A800, s2  }
.Ltmp0:
0x7: {  	s1 =	rddreg [dreg:$0x1];
	s4 =	sand.u32 $0xF800, s5;
	(pc) =	sbr.rel .LBB1_1-.Ltmp0, $4  }
0x8: {  	_ =	strace $0x80000047;
	s9 =	smov.u32 s2;
	p0 =	sne.s32 s4, $0x0  }
0x9: {  	s5 =	sshrl.u32 s5, $0x10;
	s4 =	simm.s32 $0x1;
	s7 =	simm.s32 @!p0 $0x0  }
0xa: {  	[sflag:s4] =	ssyncpa.u1 $0x0;
	p0 =	por $0x0, $0x0;
	s5 =	sadd.s32 s7, s5  }
0xb: {  	[sflag:s8] =	ssyncpa.u1 $0x0;
	s8 =	simm.s32 $0x80;
	s7 =	sadd.s32 $0x1, s5  }
.LBB1_7:
0xc: {  	s14 =	sadd.s32 $0x10000, s9  }
0xd: {  	s12 =	sadd.s32 $0x8, s10;
	s16 =	smov.u32 s10;
	p2 =	sgt.s32 s14, $0x61A7FF  }
0xe: {  	s16 =	smov.u32 @p2 s12  }
0xf: {  	s14 =	smov.u32 @p2 s2;
	p2 =	sgt.s32 s16, $0x7  }
0x10: {  	s16 =	simm.s32 @p2 $0x0;
	p2 =	sne.s32 s11, s7  }
.Ltmp1:
0x11: {  	p1 =	slt.u32 s11, $0x2;
	(pc) =	sbr.rel @!p2 .LBB1_8-.Ltmp1, $4  }
0x12: {  	s15 =	simm.s32 @!p1 $0x2  }
0x13: {  	s13 =	smov.u32 s9;
	p0 =	por !p0, !p0;
	_ =	swait.ge @!p1 [sflag:s15], $0x4000  }
0x14: {  	s12 =	smov.u32 s10;
	[sflag:s15] =	ssyncset.done @!p1 $0x0;
	s9 =	smov.u32 s14  }
0x15: {  	s11 =	sadd.s32 $0x1, s11;
	[sflag:s15] =	ssyncadd.s32 @!p1 $0xFFFFC000;
	s10 =	smov.u32 s16  }
.LBB1_1:
0x16: {  	p1 =	sge.u32 s11, s5  }
0x17: {  	s14 =	sshrl.u32 @!p1 s10, $0x3  }
0x18: {  	s15 =	sshll.u32 @!p1 s9, $0x3;
	s14 =	smul.u32 @!p1 $0x30D4000, s14  }
0x19: {  	s15 =	sand.u32 @!p1 $0xFFFFFC00, s15  }
0x1a: {  	s14 =	sadd.s32 @!p1 s14, s15  }
0x1b: {  	s15 =	sshrl.u32 @!p1 s14, $0xB  }
0x1c: {  	s16 =	sshll.u32 @!p1 s10, $0x7;
	s15 =	smulhi.u32 @!p1 $0x14F8B6, s15  }
0x1d: {  	s17 =	sand.u32 @!p1 $0x7F, s9;
	s16 =	sand.u32 @!p1 $0x380, s16  }
0x1e: {  	s16 =	sor.u32 @!p1 s17, s16;
	s17 =	smul.u32 @!p1 $0x61A800, s15  }
0x1f: {  	s14 =	sor.u32 @!p1 s14, s16  }
0x20: {  	s15 =	sand.u32 @!p1 $0x7, s15;
	s14 =	ssub.s32 @!p1 s14, s17  }
0x21: {  	s16 =	sxor.u32 @!p1 $0xFFFFFFFF, s11;
	s15 =	smul.u32 @!p1 $0xC3500, s15;
	s17 =	sshrl.u32 @!p1 s14, $0x3  }
0x22: {  	s31 =	sadd.s32 $0xFFFFFFFF, s11;
	s16 =	sshll.u32 @!p1 s16, $0xE;
	s17 =	sadd.s32 @!p1 s3, s17  }
0x23: {  	s16 =	sand.u32 @!p1 $0x4000, s16;
	s14 =	sand.u32 @!p1 $0x7, s14;
	s15 =	sadd.s32 @!p1 s15, s17  }
0x24: {  	[tilespmem:s16], [sflag:$0x1] =	stream.linear.gather @!p1 [hbm4b:s15+s14], $0x4000, $0x38;
	[tilespmem:$0x11000] =	vst v63  }
0x25: {  	p1 =	sge.u32 s31, s5  }
.Ltmp2:
0x26: {  	_ = 	snop;
	(pc) =	sbr.rel @p1 .LBB1_7-.Ltmp2, $1  }
0x27: {  	_ =	sdelay $0x3  }
0x28: {  	s14 =	simm.s32 $0x1;
	s16 =	sand.u32 $0x1, s11  }
0x29: {  	_ =	swait.ge [sflag:s4], $0x4000;
	s14 =	simm.s32 @!p0 $0x0;
	s17 =	smul.u32 $0x12000, s16  }
0x2a: {  	[sflag:s4] =	ssyncset.done $0x0;
	s15 =	smul.u32 $0x12000, s14  }
0x2b: {  	s14 =	sshll.u32 s14, $0xE;
	[sflag:s4] =	ssyncadd.s32 $0xFFFFC000  }
0x2c: {  	s16 =	sor.u32 $0x800, s14;
	s31 =	sshrl.u32 s17, $0x2;
	s15 =	sshrl.u32 s15, $0x2  }
0x2d: {  	s17 =	simm.s32 $0x0;
	s14 =	sor.u32 $0x8000, s31;
	s15 =	sadd.s32 $0x9170, s15  }
.LBB1_3:
0x2e: {  	v0 =	vld [tilespmem:s16+$0x470]  }
0x2f: {  	v1 =	vld [tilespmem:s16+$0xFFFFF810]  }
0x30: {  	v2 =	vld [tilespmem:s16+$0xFFFFF820]  }
0x31: {  	v3 =	vld [tilespmem:s16+$0xFFFFF830]  }
0x32: {  	v4 =	vld [tilespmem:s16+$0xFFFFF840]  }
0x33: {  	v5 =	vld [tilespmem:s16+$0xFFFFF850];
	[tilespmem:s15+$0x0 ss:$0x9] =	vst.msk $0xffff, v0  }
0x34: {  	[tilespmem:s15+$0xFFFFEF20 ss:$0x9] =	vst.msk $0xffff, v1;
	v0 =	vld [tilespmem:s16+$0xFFFFF860]  }
0x35: {  	[tilespmem:s15+$0xFFFFEFB0 ss:$0x9] =	vst.msk $0xffff, v2;
	v1 =	vld [tilespmem:s16+$0xFFFFF870]  }
0x36: {  	[tilespmem:s15+$0xFFFFF040 ss:$0x9] =	vst.msk $0xffff, v3;
	v2 =	vld [tilespmem:s16+$0xFFFFFC00]  }
0x37: {  	[tilespmem:s15+$0xFFFFF0D0 ss:$0x9] =	vst.msk $0xffff, v4;
	v3 =	vld [tilespmem:s16+$0xFFFFFC10]  }
0x38: {  	[tilespmem:s15+$0xFFFFF160 ss:$0x9] =	vst.msk $0xffff, v5;
	v4 =	vld [tilespmem:s16+$0xFFFFFC20]  }
0x39: {  	v5 =	vld [tilespmem:s16+$0x420];
	[tilespmem:s15+$0xFFFFF1F0 ss:$0x9] =	vst.msk $0xffff, v0  }
0x3a: {  	v0 =	vld [tilespmem:s16+$0xFFFFFC30];
	[tilespmem:s15+$0xFFFFF280 ss:$0x9] =	vst.msk $0xffff, v1  }
0x3b: {  	v1 =	vld [tilespmem:s16+$0xFFFFFC40];
	[tilespmem:s15+$0xFFFFF310 ss:$0x9] =	vst.msk $0xffff, v2  }
0x3c: {  	[tilespmem:s15+$0xFFFFF3A0 ss:$0x9] =	vst.msk $0xffff, v3;
	v3 =	vld [tilespmem:s16+$0xFFFFFC60]  }
0x3d: {  	[tilespmem:s15+$0xFFFFF430 ss:$0x9] =	vst.msk $0xffff, v4;
	v4 =	vld [tilespmem:s16+$0xFFFFFC70]  }
0x3e: {  	v2 =	vld [tilespmem:s16+$0xFFFFFC50];
	[tilespmem:s15+$0xFFFFFD30 ss:$0x9] =	vst.msk $0xffff, v5  }
0x3f: {  	[tilespmem:s15+$0xFFFFF4C0 ss:$0x9] =	vst.msk $0xffff, v0;
	v0 =	vld [tilespmem:s16+$0x0]  }
0x40: {  	[tilespmem:s15+$0xFFFFF550 ss:$0x9] =	vst.msk $0xffff, v1;
	v1 =	vld [tilespmem:s16+$0x10]  }
0x41: {  	[tilespmem:s15+$0xFFFFF670 ss:$0x9] =	vst.msk $0xffff, v3;
	v3 =	vld [tilespmem:s16+$0x30]  }
0x42: {  	[tilespmem:s15+$0xFFFFF700 ss:$0x9] =	vst.msk $0xffff, v4;
	v4 =	vld [tilespmem:s16+$0x40]  }
0x43: {  	[tilespmem:s15+$0xFFFFF5E0 ss:$0x9] =	vst.msk $0xffff, v2;
	v2 =	vld [tilespmem:s16+$0x20]  }
0x44: {  	[tilespmem:s15+$0xFFFFF790 ss:$0x9] =	vst.msk $0xffff, v0;
	v0 =	vld [tilespmem:s16+$0x50]  }
0x45: {  	[tilespmem:s15+$0xFFFFF820 ss:$0x9] =	vst.msk $0xffff, v1;
	v1 =	vld [tilespmem:s16+$0x60]  }
0x46: {  	[tilespmem:s15+$0xFFFFF940 ss:$0x9] =	vst.msk $0xffff, v3;
	v3 =	vld [tilespmem:s16+$0x400]  }
0x47: {  	[tilespmem:s15+$0xFFFFF9D0 ss:$0x9] =	vst.msk $0xffff, v4;
	v4 =	vld [tilespmem:s16+$0x410]  }
0x48: {  	[tilespmem:s15+$0xFFFFF8B0 ss:$0x9] =	vst.msk $0xffff, v2;
	v2 =	vld [tilespmem:s16+$0x70]  }
0x49: {  	[tilespmem:s15+$0xFFFFFA60 ss:$0x9] =	vst.msk $0xffff, v0;
	v0 =	vld [tilespmem:s16+$0x430]  }
0x4a: {  	[tilespmem:s15+$0xFFFFFAF0 ss:$0x9] =	vst.msk $0xffff, v1;
	v1 =	vld [tilespmem:s16+$0x440]  }
0x4b: {  	[tilespmem:s15+$0xFFFFFC10 ss:$0x9] =	vst.msk $0xffff, v3;
	v3 =	vld [tilespmem:s16+$0x450]  }
0x4c: {  	[tilespmem:s15+$0xFFFFFCA0 ss:$0x9] =	vst.msk $0xffff, v4;
	v4 =	vld [tilespmem:s16+$0x460]  }
0x4d: {  	s19 =	simm.s32 $0x0;
	s20 =	sadd.s32 $0x1000, s16;
	s18 =	smov.u32 s15;
	[tilespmem:s15+$0xFFFFFB80 ss:$0x9] =	vst.msk $0xffff, v2;
	v2 =	vld [tilespmem:s16+$0xFFFFF800]  }
.LBB1_4:
0x4e: {  	v5 =	vld [tilespmem:s20+$0x470];
	s19 =	sadd.s32 $0x200, s19;
	[tilespmem:s18+$0xFFFFFDC0 ss:$0x9] =	vst.msk $0xffff, v0  }
0x4f: {  	v0 =	vld [tilespmem:s20+$0xFFFFF810];
	p1 =	slt.u32 s19, $0x600;
	[tilespmem:s18+$0xFFFFFE50 ss:$0x9] =	vst.msk $0xffff, v1  }
0x50: {  	v1 =	vld [tilespmem:s20+$0xFFFFF820];
	[tilespmem:s18+$0xFFFFFEE0 ss:$0x9] =	vst.msk $0xffff, v3  }
0x51: {  	v3 =	vld [tilespmem:s20+$0xFFFFF830];
	[tilespmem:s18+$0xFFFFFF70 ss:$0x9] =	vst.msk $0xffff, v4  }
0x52: {  	v4 =	vld [tilespmem:s20+$0xFFFFF840];
	[tilespmem:s18+$0xFFFFEE90 ss:$0x9] =	vst.msk $0xffff, v2;
	s18 =	sadd.s32 $0x1200, s18  }
0x53: {  	v2 =	vld [tilespmem:s20+$0xFFFFF850];
	[tilespmem:s18+$0x0 ss:$0x9] =	vst.msk $0xffff, v5  }
0x54: {  	[tilespmem:s18+$0xFFFFEF20 ss:$0x9] =	vst.msk $0xffff, v0;
	v0 =	vld [tilespmem:s20+$0xFFFFF860]  }
0x55: {  	[tilespmem:s18+$0xFFFFEFB0 ss:$0x9] =	vst.msk $0xffff, v1;
	v1 =	vld [tilespmem:s20+$0xFFFFF870]  }
0x56: {  	[tilespmem:s18+$0xFFFFF040 ss:$0x9] =	vst.msk $0xffff, v3;
	v3 =	vld [tilespmem:s20+$0xFFFFFC00]  }
0x57: {  	[tilespmem:s18+$0xFFFFF0D0 ss:$0x9] =	vst.msk $0xffff, v4;
	v4 =	vld [tilespmem:s20+$0xFFFFFC10]  }
0x58: {  	[tilespmem:s18+$0xFFFFF160 ss:$0x9] =	vst.msk $0xffff, v2;
	v2 =	vld [tilespmem:s20+$0xFFFFFC20]  }
0x59: {  	[tilespmem:s18+$0xFFFFF1F0 ss:$0x9] =	vst.msk $0xffff, v0;
	v0 =	vld [tilespmem:s20+$0xFFFFFC30]  }
0x5a: {  	[tilespmem:s18+$0xFFFFF280 ss:$0x9] =	vst.msk $0xffff, v1;
	v1 =	vld [tilespmem:s20+$0xFFFFFC40]  }
0x5b: {  	[tilespmem:s18+$0xFFFFF310 ss:$0x9] =	vst.msk $0xffff, v3;
	v3 =	vld [tilespmem:s20+$0xFFFFFC50]  }
0x5c: {  	[tilespmem:s18+$0xFFFFF3A0 ss:$0x9] =	vst.msk $0xffff, v4;
	v4 =	vld [tilespmem:s20+$0xFFFFFC60]  }
0x5d: {  	[tilespmem:s18+$0xFFFFF430 ss:$0x9] =	vst.msk $0xffff, v2;
	v2 =	vld [tilespmem:s20+$0xFFFFFC70]  }
0x5e: {  	[tilespmem:s18+$0xFFFFF4C0 ss:$0x9] =	vst.msk $0xffff, v0;
	v0 =	vld [tilespmem:s20+$0x0]  }
0x5f: {  	[tilespmem:s18+$0xFFFFF550 ss:$0x9] =	vst.msk $0xffff, v1;
	v1 =	vld [tilespmem:s20+$0x10]  }
0x60: {  	[tilespmem:s18+$0xFFFFF5E0 ss:$0x9] =	vst.msk $0xffff, v3;
	v3 =	vld [tilespmem:s20+$0x20]  }
0x61: {  	[tilespmem:s18+$0xFFFFF670 ss:$0x9] =	vst.msk $0xffff, v4;
	v4 =	vld [tilespmem:s20+$0x30]  }
0x62: {  	[tilespmem:s18+$0xFFFFF700 ss:$0x9] =	vst.msk $0xffff, v2;
	v2 =	vld [tilespmem:s20+$0x40]  }
0x63: {  	[tilespmem:s18+$0xFFFFF790 ss:$0x9] =	vst.msk $0xffff, v0;
	v0 =	vld [tilespmem:s20+$0x50]  }
0x64: {  	[tilespmem:s18+$0xFFFFF820 ss:$0x9] =	vst.msk $0xffff, v1;
	v1 =	vld [tilespmem:s20+$0x60]  }
0x65: {  	[tilespmem:s18+$0xFFFFF8B0 ss:$0x9] =	vst.msk $0xffff, v3;
	v3 =	vld [tilespmem:s20+$0x70]  }
0x66: {  	[tilespmem:s18+$0xFFFFF940 ss:$0x9] =	vst.msk $0xffff, v4;
	v4 =	vld [tilespmem:s20+$0x400]  }
0x67: {  	[tilespmem:s18+$0xFFFFF9D0 ss:$0x9] =	vst.msk $0xffff, v2;
	v2 =	vld [tilespmem:s20+$0x410]  }
0x68: {  	[tilespmem:s18+$0xFFFFFA60 ss:$0x9] =	vst.msk $0xffff, v0;
	v5 =	vld [tilespmem:s20+$0x420]  }
.Ltmp3:
0x69: {  	[tilespmem:s18+$0xFFFFFAF0 ss:$0x9] =	vst.msk $0xffff, v1;
	v0 =	vld [tilespmem:s20+$0x430];
	(pc) =	sbr.rel @p1 .LBB1_4-.Ltmp3, $4  }
0x6a: {  	[tilespmem:s18+$0xFFFFFB80 ss:$0x9] =	vst.msk $0xffff, v3;
	v1 =	vld [tilespmem:s20+$0x440]  }
0x6b: {  	[tilespmem:s18+$0xFFFFFC10 ss:$0x9] =	vst.msk $0xffff, v4;
	v3 =	vld [tilespmem:s20+$0x450]  }
0x6c: {  	[tilespmem:s18+$0xFFFFFCA0 ss:$0x9] =	vst.msk $0xffff, v2;
	v4 =	vld [tilespmem:s20+$0x460]  }
0x6d: {  	v2 =	vld [tilespmem:s20+$0xFFFFF800];
	[tilespmem:s18+$0xFFFFFD30 ss:$0x9] =	vst.msk $0xffff, v5;
	s20 =	sadd.s32 $0x1000, s20  }
0x6e: {  	s17 =	sadd.s32 $0x1, s17  }
0x6f: {  	p1 =	sne.s32 s17, $0x8  }
.Ltmp4:
0x70: {  	[tilespmem:s18+$0xFFFFFDC0 ss:$0x9] =	vst.msk $0xffff, v0;
	(pc) =	sbr.rel @p1 .LBB1_3-.Ltmp4, $4  }
0x71: {  	[tilespmem:s18+$0xFFFFFE50 ss:$0x9] =	vst.msk $0xffff, v1  }
0x72: {  	[tilespmem:s18+$0xFFFFFEE0 ss:$0x9] =	vst.msk $0xffff, v3  }
0x73: {  	[tilespmem:s18+$0xFFFFFF70 ss:$0x9] =	vst.msk $0xffff, v4  }
0x74: {  	s15 =	sadd.s32 $0x1, s15;
	s16 =	sadd.s32 $0x80, s16;
	[tilespmem:s18+$0xFFFFEE90 ss:$0x9] =	vst.msk $0xffff, v2  }
0x75: {  	s13 =	sshll.u32 s13, $0x7;
	s15 =	sshll.u32 s12, $0x3  }
0x76: {  	s16 =	sand.u32 $0xFFFFFC00, s13;
	s15 =	sand.u32 $0xFFFFFC00, s15  }
0x77: {  	s13 =	sand.u32 $0x380, s13;
	s15 =	sadd.s32 s15, s16  }
0x78: {  	s13 =	sor.u32 s13, s15  }
0x79: {  	s13 =	sshrl.u32 s13, $0x7  }
0x7a: {  	s28 =	smulhi.u32 $0x14F8B59, s13;
	_ =	sdelay $0x1  }
0x7b: {  	s15 =	sshrl.u32 s28, $0xF  }
0x7c: {  	s15 =	smul.u32 $0x61A800, s15  }
.Ltmp5:
0x7d: {  	s29 =	sshrl.u32 s12, $0x3;
	(pc) =	sbr.rel .LBB1_7-.Ltmp5, $4  }
0x7e: {  	s31 =	sand.u32 $0x7, s12;
	s30 =	sand.u32 $0xF, s29;
	s13 =	ssub.s32 s13, s15  }
0x7f: {  	s12 =	sshll.u32 s31, $0x12;
	s15 =	sadd.s32 s6, s30;
	s13 =	sshll.u32 s13, $0x4  }
0x80: {  	s12 =	sor.u32 $0x8, s12;
	s13 =	sadd.s32 s13, s15  }
0x81: {  	[hbm4b:s13+s12] =	stream.strided.scatter [tilespmem:s14], [sflag:$0x2], $0x4000, s8, s12, $0x0;
	[tilespmem:$0x11000] =	vst v63  }
.LBB1_8:
0x82: {  	_ =	sfence.sel $0x180000  }
0x83: {  	s2 =	simm.s32 $0x1;
	[bflag:$0x0] =	sbarrier.arrive $0xFFFF  }
0x84: {  	s31 =	simm.s32 $0x2;
	[sflag:s2] =	ssyncpa.u1 $0x1  }
0x85: {  	[sflag:s31] =	ssyncpa.u1 $0x1  }
0x86: {  	p0 =	sne.s32 s0, $0x0;
	_ =	strace $0x90000047  }
0x87: {  	s0 =	sadd.s32 @!p0 $0x100000, s1;
	[bflag:$0x2] =	sbarrier.arrive $0xFFFF  }
0x88: {  	[sflag:s0] =	ssyncadd.tile.s32 @!p0 $0x1;
	_ =	shalt  }
.Lfunc_end1:
_tile_overlayer_lowered:
.L_overlay_start_2:
0x89: {  	(tag) =	ssettag $0x2  }
0x8a: {  	s0 =	rddreg [dreg:$0x0];
	s2 =	stileid.u32  }
0x8b: {  	s1 =	rddreg [dreg:$0x1];
	p0 =	sne.s32 s2, $0x0  }
0x8c: {  	s3 =	rddreg [dreg:$0x2];
	[bflag:$0x3] =	sbarrier.arrive $0xFFFF;
	s2 =	simm.s32 @!p0 $0x1C01  }
0x8d: {  	[timem:s3], [sflag:s2] =	dma.local @!p0 [hbm:s0], s1  }
0x8e: {  	s0 =	simm.s32 @!p0 $0x1  }
0x8f: {  	_ =	swait.ge @!p0 [sflag:s0], s1  }
0x90: {  	s1 =	ssub.s32 @!p0 $0x0, s1;
	[sflag:s0] =	ssyncset.done @!p0 $0x0  }
0x91: {  	[sflag:s0] =	ssyncadd.s32 @!p0 s1  }
0x92: {  	[bflag:$0x3] =	sbarrier.arrive $0xFFFF  }
0x93: {  	_ =	shalt  }

</sc_bundles>
